<compile_context>
chip_gen: v7x
topology: tpu7x:2x2x1
jax: 0.10.2.dev20260603
libtpu: 0.0.44.dev20260713+nightly
codegen_flags: <defaults>
</compile_context>

<pallas_src>
import functools

import jax
import jax.numpy as jnp
from jax import lax
from jax.experimental import pallas as pl
from jax.experimental.pallas import tpu as pltpu
from jax.experimental.pallas import tpu_sc as plsc

_K = 8192
_D = 32
_N = 16384
_BETA = 0.25

_ROWS = 1024
_CHUNK = 2048
_NCHUNK = _K // _CHUNK
_NBLK = _N // _ROWS


def _argmin_body(z_ref, e_ref, s_ref, e2_ref, idx_ref, loss_ref):
    i = pl.program_id(0)
    z = z_ref[...]
    z2 = z + z
    s = s_ref[...]
    half_min = [None, None]
    half_idx = [None, None]
    lane = lax.broadcasted_iota(
        jnp.int32, (_ROWS, 128), 1).astype(jnp.float32)
    ntile = _CHUNK // 128
    for h in range(2):
        run_v = None
        run_t = None
        for ch in range(_NCHUNK // 2):
            c = h * (_NCHUNK // 2) + ch
            ec = e_ref[pl.ds(c * _CHUNK, _CHUNK), :]
            m2 = lax.dot_general(z2, ec, (((1,), (1,)), ((), ())),
                                 preferred_element_type=jnp.float32)
            for t in range(ntile):
                col = pl.ds(c * _CHUNK + t * 128, 128)
                dt = (s + e2_ref[:, col]) - m2[:, t * 128:(t + 1) * 128]
                if run_v is None:
                    run_v = dt
                    run_t = jnp.zeros((_ROWS, 128), jnp.float32)
                else:
                    upd = dt < run_v
                    run_v = jnp.where(upd, dt, run_v)
                    run_t = jnp.where(upd, float(ch * ntile + t), run_t)
        hmin = jnp.min(run_v, axis=1, keepdims=True)
        jlane = run_t * 128.0 + lane
        hidx = jnp.min(jnp.where(run_v == hmin, jlane, float(_K)),
                       axis=1, keepdims=True) + float(h * (_K // 2))
        half_min[h], half_idx[h] = hmin, hidx
    m0, m1 = half_min
    h0, h1 = half_idx
    b0 = m0.astype(jnp.bfloat16).astype(jnp.float32)
    sel = m1 < b0
    idx_ref[...] = jnp.where(sel, h1, h0).astype(jnp.int32)

    @pl.when(i == 0)
    def _():
        loss_ref[...] = jnp.zeros((1, 1), jnp.float32)

    loss_ref[...] += jnp.sum(jnp.where(sel, m1, m0), keepdims=True)


def _tc_argmin(z, e, s, e2):
    return pl.pallas_call(
        _argmin_body,
        grid=(_NBLK,),
        in_specs=[
            pl.BlockSpec((_ROWS, _D), lambda i: (i, 0)),
            pl.BlockSpec((_K, _D), lambda i: (0, 0)),
            pl.BlockSpec((_ROWS, 1), lambda i: (i, 0)),
            pl.BlockSpec((1, _K), lambda i: (0, 0)),
        ],
        out_specs=[
            pl.BlockSpec((_ROWS, 1), lambda i: (i, 0)),
            pl.BlockSpec((1, 1), lambda i: (0, 0)),
        ],
        out_shape=[
            jax.ShapeDtypeStruct((_N, 1), jnp.int32),
            jax.ShapeDtypeStruct((1, 1), jnp.float32),
        ],
    )(z, e, s, e2)


_DPAD = 128


def _make_sc_gather():
    info = plsc.get_sparse_core_info()
    nw = info.num_cores * info.num_subcores
    b_per_w = _N // nw
    mesh = plsc.VectorSubcoreMesh(core_axis_name="c", subcore_axis_name="s")

    @functools.partial(
        pl.kernel, mesh=mesh,
        out_type=jax.ShapeDtypeStruct((_N, _DPAD), jnp.float32),
        scratch_types=[
            pltpu.VMEM((b_per_w,), jnp.int32),
            pltpu.VMEM((b_per_w, _DPAD), jnp.float32),
            pltpu.SemaphoreType.DMA,
        ],
    )
    def gather_rows(table_hbm, idx_hbm, out_hbm, idx_v, rows_v, sem):
        wid = lax.axis_index("s") * info.num_cores + lax.axis_index("c")
        base = wid * b_per_w
        pltpu.sync_copy(idx_hbm.at[pl.ds(base, b_per_w)], idx_v)
        pltpu.async_copy(table_hbm.at[idx_v], rows_v, sem).wait()
        pltpu.sync_copy(rows_v, out_hbm.at[pl.ds(base, b_per_w)])

    return gather_rows


def kernel(inputs, embed_weight):
    flat = inputs.reshape(-1, _D)
    s = jnp.sum(flat ** 2, axis=1, keepdims=True)
    e2 = jnp.sum(embed_weight ** 2, axis=1)
    idx2d, loss_sum = _tc_argmin(flat, embed_weight, s, e2.reshape(1, _K))

    table = jnp.pad(embed_weight, ((0, 0), (0, _DPAD - _D)))
    gathered = _make_sc_gather()(table, idx2d.reshape(_N))[:, :_D]

    mean_sq = loss_sum[0, 0] / (_N * _D)
    commitloss = mean_sq + _BETA * mean_sq
    quantized = flat + lax.stop_gradient(gathered - flat)
    return (quantized.reshape(inputs.shape), idx2d, commitloss,
            jnp.array(0.0, dtype=jnp.float32))

# --- scband reference (transcript-rebuilt; emitter-appended) ---
"""Pipeline reference for scband-vector-quantizer-gcn-47072841564917 (READ-ONLY COPY).

The authoritative reference and input builder live on the scoring server;
editing this copy changes nothing except your own understanding.
"""

import jax, jax.numpy as jnp
import numpy as np

NUM_EMBEDDINGS = 8192
EMBEDDING_DIM = 32
BETA = 0.25


def setup_inputs(seed: int = 0) -> dict:
    key = jax.random.key(seed)
    k1, k2 = jax.random.split(key)
    inputs = jax.random.normal(k1, (16384, EMBEDDING_DIM), dtype=jnp.float32)
    # nn.Embedding weight initialized uniform(-1/K, 1/K) as in the torch module
    embed_weight = jax.random.uniform(
        k2, (NUM_EMBEDDINGS, EMBEDDING_DIM), dtype=jnp.float32,
        minval=-1.0 / NUM_EMBEDDINGS, maxval=1.0 / NUM_EMBEDDINGS)
    return {"inputs": inputs, "embed_weight": embed_weight}


def reference(inputs, embed_weight):
    # index=None path of VectorQuantizer_gcn.forward (index != None crashes: self.batch_size undefined)
    flat_input = inputs.reshape(-1, EMBEDDING_DIM)
    distances = (jnp.sum(flat_input ** 2, axis=1, keepdims=True)
                 + jnp.sum(embed_weight ** 2, axis=1)
                 - 2.0 * jnp.matmul(flat_input, embed_weight.T))
    encoding_indices = jnp.argmin(distances, axis=1)[:, None]
    n = encoding_indices.shape[0]
    # encodings.scatter_(1, encoding_indices, 1) -> one-hot via scatter-set
    encodings = jnp.zeros((n, NUM_EMBEDDINGS), dtype=inputs.dtype)
    encodings = encodings.at[jnp.arange(n), encoding_indices[:, 0]].set(1.0)
    quantized = jnp.matmul(encodings, embed_weight)
    commitloss = (jnp.mean((jax.lax.stop_gradient(quantized) - inputs) ** 2)
                  + BETA * jnp.mean((quantized - jax.lax.stop_gradient(inputs)) ** 2))
    quantized = inputs + jax.lax.stop_gradient(quantized - inputs)
    contrastloss = jnp.array(0.0, dtype=jnp.float32)
    return (quantized, encoding_indices, commitloss, contrastloss)

if __name__ == "__main__":
    import jax
    _d = setup_inputs()
    print(jax.jit(kernel)(*tuple(_d.values())))

</pallas_src>

<mosaic_0001>
#map = affine_map<(d0, d1) -> (0, 0)>
#map1 = affine_map<(d0, d1) -> (0)>
module attributes {stable_mosaic.version = 14 : i64} {
  func.func @gather_rows(%arg0: i32, %arg1: i32, %arg2: memref<8192x128xf32, #tpu.memory_space<hbm>>, %arg3: memref<16384xi32, #tpu.memory_space<hbm>>, %arg4: memref<16384x128xf32, #tpu.memory_space<hbm>>, %arg5: memref<512xi32, #tpu.memory_space<vmem>>, %arg6: memref<512x128xf32, #tpu.memory_space<vmem>>, %arg7: memref<!tpu.dma_semaphore, #tpu.memory_space<semaphore_mem>>) attributes {dimension_semantics = [#tpu.dimension_semantics<core_parallel>, #tpu.dimension_semantics<subcore_parallel>], iteration_bounds = array<i64: 2, 16>, scalar_prefetch = 0 : i64, scratch_operands = 3 : i64, tpu.core_type = #tpu.core_type<sc_vector_subcore>, window_params = [{transform_indices = #map}, {transform_indices = #map1}, {transform_indices = #map}]} {
    %mul3A = arith.constant 2 : i32
    %mul3A_0 = arith.muli %arg1, %mul3A : i32
    %add3A = arith.addi %mul3A_0, %arg0 : i32
    %mul3A_1 = arith.constant 512 : i32
    %mul3A_2 = arith.muli %add3A, %mul3A_1 : i32
    "tpu.region"() ({
      %run_scoped3A = tpu.sem_alloc : memref<!tpu.dma_semaphore, #tpu.memory_space<semaphore_mem>>
      %dma_start3A_7 = tpu.memref_slice %arg3[%mul3A_2] : memref<16384xi32, #tpu.memory_space<hbm>> -> memref<512xi32, #tpu.memory_space<hbm>>
      %dma_start3A_8 = tpu.memref_slice %arg3[%mul3A_2] : memref<16384xi32, #tpu.memory_space<hbm>> -> memref<512xi32, #tpu.memory_space<hbm>>
      tpu.enqueue_dma source(%dma_start3A_8 : memref<512xi32, #tpu.memory_space<hbm>>) target(%arg5 : memref<512xi32, #tpu.memory_space<vmem>>) target_semaphore(%run_scoped3A : memref<!tpu.dma_semaphore, #tpu.memory_space<semaphore_mem>>)
      %dma_wait3A_9 = tpu.memref_slice %arg3[%mul3A_2] : memref<16384xi32, #tpu.memory_space<hbm>> -> memref<512xi32, #tpu.memory_space<hbm>>
      %dma_wait3A_10 = tpu.memref_slice %arg3[%mul3A_2] : memref<16384xi32, #tpu.memory_space<hbm>> -> memref<512xi32, #tpu.memory_space<hbm>>
      tpu.wait_dma2 semaphore(%run_scoped3A : memref<!tpu.dma_semaphore, #tpu.memory_space<semaphore_mem>>) src(%dma_wait3A_10 : memref<512xi32, #tpu.memory_space<hbm>>) dst(%arg5 : memref<512xi32, #tpu.memory_space<vmem>>)
      tpu.yield
    }) : () -> ()
    %dma_start3A = arith.constant 0 : i32
    %dma_start3A_3 = arith.constant 0 : i32
    %dma_start3A_4 = tpu.memref_slice %arg2[%dma_start3A, %dma_start3A_3] : memref<8192x128xf32, #tpu.memory_space<hbm>> -> memref<8192x128xf32, #tpu.memory_space<hbm>>
    tpu.enqueue_indirect_dma source(%dma_start3A_4 : memref<8192x128xf32, #tpu.memory_space<hbm>>) target(%arg6 : memref<512x128xf32, #tpu.memory_space<vmem>>) offsets(%arg5 : memref<512xi32, #tpu.memory_space<vmem>>) semaphore(%arg7 : memref<!tpu.dma_semaphore, #tpu.memory_space<semaphore_mem>>)
    %dma_wait3A = arith.constant 0 : i32
    %dma_wait3A_5 = arith.constant 0 : i32
    %dma_wait3A_6 = tpu.memref_slice %arg2[%dma_wait3A, %dma_wait3A_5] : memref<8192x128xf32, #tpu.memory_space<hbm>> -> memref<8192x128xf32, #tpu.memory_space<hbm>>
    tpu.wait_indirect_dma semaphore(%arg7 : memref<!tpu.dma_semaphore, #tpu.memory_space<semaphore_mem>>) src(%dma_wait3A_6 : memref<8192x128xf32, #tpu.memory_space<hbm>>) dst(%arg6 : memref<512x128xf32, #tpu.memory_space<vmem>>)
    "tpu.region"() ({
      %run_scoped3A = tpu.sem_alloc : memref<!tpu.dma_semaphore, #tpu.memory_space<semaphore_mem>>
      %dma_start3A_7 = arith.constant 0 : i32
      %dma_start3A_8 = tpu.memref_slice %arg4[%mul3A_2, %dma_start3A_7] : memref<16384x128xf32, #tpu.memory_space<hbm>> -> memref<512x128xf32, #tpu.memory_space<hbm>>
      %dma_start3A_9 = arith.constant 0 : i32
      %dma_start3A_10 = tpu.memref_slice %arg4[%mul3A_2, %dma_start3A_9] : memref<16384x128xf32, #tpu.memory_space<hbm>> -> memref<512x128xf32, #tpu.memory_space<hbm>>
      tpu.enqueue_dma source(%arg6 : memref<512x128xf32, #tpu.memory_space<vmem>>) target(%dma_start3A_10 : memref<512x128xf32, #tpu.memory_space<hbm>>) target_semaphore(%run_scoped3A : memref<!tpu.dma_semaphore, #tpu.memory_space<semaphore_mem>>)
      %dma_wait3A_11 = arith.constant 0 : i32
      %dma_wait3A_12 = tpu.memref_slice %arg4[%mul3A_2, %dma_wait3A_11] : memref<16384x128xf32, #tpu.memory_space<hbm>> -> memref<512x128xf32, #tpu.memory_space<hbm>>
      %dma_wait3A_13 = arith.constant 0 : i32
      %dma_wait3A_14 = tpu.memref_slice %arg4[%mul3A_2, %dma_wait3A_13] : memref<16384x128xf32, #tpu.memory_space<hbm>> -> memref<512x128xf32, #tpu.memory_space<hbm>>
      tpu.wait_dma2 semaphore(%run_scoped3A : memref<!tpu.dma_semaphore, #tpu.memory_space<semaphore_mem>>) src(%arg6 : memref<512x128xf32, #tpu.memory_space<vmem>>) dst(%dma_wait3A_14 : memref<512x128xf32, #tpu.memory_space<hbm>>)
      tpu.yield
    }) : () -> ()
    return
  }
}

module attributes {stable_mosaic.version = 14 : i64} {
  func.func @_argmin_body(%arg0: i32, %arg1: memref<1024x32xf32, #tpu.memory_space<vmem>>, %arg2: memref<8192x32xf32, #tpu.memory_space<vmem>>, %arg3: memref<1024x1xf32, #tpu.memory_space<vmem>>, %arg4: memref<1x8192xf32, #tpu.memory_space<vmem>>, %arg5: memref<1024x1xi32, #tpu.memory_space<vmem>>, %arg6: memref<1x1xf32, #tpu.memory_space<vmem>>) attributes {dimension_semantics = [#tpu.dimension_semantics<arbitrary>], iteration_bounds = array<i64: 16>, scalar_prefetch = 0 : i64, scratch_operands = 0 : i64, tpu.core_type = #tpu.core_type<tc>, window_params = [{transform_indices = @transform_0, window_bounds = array<i64: 1024, 32>}, {pipeline_mode = #tpu.pipeline_mode<synchronous>, transform_indices = @transform_1, window_bounds = array<i64: 8192, 32>}, {transform_indices = @transform_2, window_bounds = array<i64: 1024, 1>}, {pipeline_mode = #tpu.pipeline_mode<synchronous>, transform_indices = @transform_3, window_bounds = array<i64: 1, 8192>}, {transform_indices = @transform_4, window_bounds = array<i64: 1024, 1>}, {pipeline_mode = #tpu.pipeline_mode<synchronous>, transform_indices = @transform_5, window_bounds = array<i64: 1, 1>}]} {
    %get3A = arith.constant 0 : index
    %get3A_0 = arith.constant 0 : index
    %get3A_1 = vector.load %arg1[%get3A, %get3A_0] : memref<1024x32xf32, #tpu.memory_space<vmem>>, vector<1024x32xf32>
    %add3A = arith.addf %get3A_1, %get3A_1 : vector<1024x32xf32>
    %get3A_2 = arith.constant 0 : index
    %get3A_3 = arith.constant 0 : index
    %get3A_4 = vector.load %arg3[%get3A_2, %get3A_3] : memref<1024x1xf32, #tpu.memory_space<vmem>>, vector<1024x1xf32>
    %iota3A = tpu.iota {dimensions = array<i32: 1>} : vector<1024x128xi32>
    %convert_element_type3A = arith.sitofp %iota3A : vector<1024x128xi32> to vector<1024x128xf32>
    %get3A_5 = arith.constant 0 : index
    %get3A_6 = arith.constant 0 : index
    %get3A_7 = vector.load %arg2[%get3A_5, %get3A_6] : memref<8192x32xf32, #tpu.memory_space<vmem>>, vector<2048x32xf32>
    %dot_general3A = arith.constant dense<0.000000e+00> : vector<1024x2048xf32>
    %dot_general3A_8 = tpu.matmul %add3A, %get3A_7, %dot_general3A {dimension_numbers = #tpu.dot_dimension_numbers<[1], [1], [0], [0], [0, 0, 1, 0], [], []>, transpose_lhs_hint = false} : vector<1024x32xf32>, vector<2048x32xf32>, vector<1024x2048xf32> -> vector<1024x2048xf32>
    %get3A_9 = arith.constant 0 : index
    %get3A_10 = arith.constant 0 : index
    %get3A_11 = vector.load %arg4[%get3A_9, %get3A_10] : memref<1x8192xf32, #tpu.memory_space<vmem>>, vector<1x128xf32>
    %add3A_12 = vector.broadcast %get3A_4 : vector<1024x1xf32> to vector<1024x128xf32>
    %add3A_13 = vector.broadcast %get3A_11 : vector<1x128xf32> to vector<1024x128xf32>
    %add3A_14 = arith.addf %add3A_12, %add3A_13 : vector<1024x128xf32>
    %slice3A = vector.extract_strided_slice %dot_general3A_8 {offsets = [0, 0], sizes = [1024, 128], strides = [1, 1]} : vector<1024x2048xf32> to vector<1024x128xf32>
    %sub3A = arith.subf %add3A_14, %slice3A : vector<1024x128xf32>
    %broadcast_in_dim3A = arith.constant 0.000000e+00 : f32
    %broadcast_in_dim3A_15 = vector.broadcast %broadcast_in_dim3A : f32 to vector<1024x128xf32>
    %get3A_16 = arith.constant 0 : index
    %get3A_17 = arith.constant 128 : index
    %get3A_18 = vector.load %arg4[%get3A_16, %get3A_17] : memref<1x8192xf32, #tpu.memory_space<vmem>>, vector<1x128xf32>
    %add3A_19 = vector.broadcast %get3A_4 : vector<1024x1xf32> to vector<1024x128xf32>
    %add3A_20 = vector.broadcast %get3A_18 : vector<1x128xf32> to vector<1024x128xf32>
    %add3A_21 = arith.addf %add3A_19, %add3A_20 : vector<1024x128xf32>
    %slice3A_22 = vector.extract_strided_slice %dot_general3A_8 {offsets = [0, 128], sizes = [1024, 128], strides = [1, 1]} : vector<1024x2048xf32> to vector<1024x128xf32>
    %sub3A_23 = arith.subf %add3A_21, %slice3A_22 : vector<1024x128xf32>
    %lt3A = arith.cmpf olt, %sub3A_23, %sub3A : vector<1024x128xf32>
    %select_n3A = arith.select %lt3A, %sub3A_23, %sub3A : vector<1024x128xi1>, vector<1024x128xf32>
    %jit3A = arith.constant 1.000000e+00 : f32
    %broadcast_in_dim3A_24 = vector.broadcast %jit3A : f32 to vector<1024x128xf32>
    %select_n3A_25 = arith.select %lt3A, %broadcast_in_dim3A_24, %broadcast_in_dim3A_15 : vector<1024x128xi1>, vector<1024x128xf32>
    %get3A_26 = arith.constant 0 : index
    %get3A_27 = arith.constant 256 : index
    %get3A_28 = vector.load %arg4[%get3A_26, %get3A_27] : memref<1x8192xf32, #tpu.memory_space<vmem>>, vector<1x128xf32>
    %add3A_29 = vector.broadcast %get3A_4 : vector<1024x1xf32> to vector<1024x128xf32>
    %add3A_30 = vector.broadcast %get3A_28 : vector<1x128xf32> to vector<1024x128xf32>
    %add3A_31 = arith.addf %add3A_29, %add3A_30 : vector<1024x128xf32>
    %slice3A_32 = vector.extract_strided_slice %dot_general3A_8 {offsets = [0, 256], sizes = [1024, 128], strides = [1, 1]} : vector<1024x2048xf32> to vector<1024x128xf32>
    %sub3A_33 = arith.subf %add3A_31, %slice3A_32 : vector<1024x128xf32>
    %lt3A_34 = arith.cmpf olt, %sub3A_33, %select_n3A : vector<1024x128xf32>
    %select_n3A_35 = arith.select %lt3A_34, %sub3A_33, %select_n3A : vector<1024x128xi1>, vector<1024x128xf32>
    %jit3A_36 = arith.constant 2.000000e+00 : f32
    %broadcast_in_dim3A_37 = vector.broadcast %jit3A_36 : f32 to vector<1024x128xf32>
    %select_n3A_38 = arith.select %lt3A_34, %broadcast_in_dim3A_37, %select_n3A_25 : vector<1024x128xi1>, vector<1024x128xf32>
    %get3A_39 = arith.constant 0 : index
    %get3A_40 = arith.constant 384 : index
    %get3A_41 = vector.load %arg4[%get3A_39, %get3A_40] : memref<1x8192xf32, #tpu.memory_space<vmem>>, vector<1x128xf32>
    %add3A_42 = vector.broadcast %get3A_4 : vector<1024x1xf32> to vector<1024x128xf32>
    %add3A_43 = vector.broadcast %get3A_41 : vector<1x128xf32> to vector<1024x128xf32>
    %add3A_44 = arith.addf %add3A_42, %add3A_43 : vector<1024x128xf32>
    %slice3A_45 = vector.extract_strided_slice %dot_general3A_8 {offsets = [0, 384], sizes = [1024, 128], strides = [1, 1]} : vector<1024x2048xf32> to vector<1024x128xf32>
    %sub3A_46 = arith.subf %add3A_44, %slice3A_45 : vector<1024x128xf32>
    %lt3A_47 = arith.cmpf olt, %sub3A_46, %select_n3A_35 : vector<1024x128xf32>
    %select_n3A_48 = arith.select %lt3A_47, %sub3A_46, %select_n3A_35 : vector<1024x128xi1>, vector<1024x128xf32>
    %jit3A_49 = arith.constant 3.000000e+00 : f32
    %broadcast_in_dim3A_50 = vector.broadcast %jit3A_49 : f32 to vector<1024x128xf32>
    %select_n3A_51 = arith.select %lt3A_47, %broadcast_in_dim3A_50, %select_n3A_38 : vector<1024x128xi1>, vector<1024x128xf32>
    %get3A_52 = arith.constant 0 : index
    %get3A_53 = arith.constant 512 : index
    %get3A_54 = vector.load %arg4[%get3A_52, %get3A_53] : memref<1x8192xf32, #tpu.memory_space<vmem>>, vector<1x128xf32>
    %add3A_55 = vector.broadcast %get3A_4 : vector<1024x1xf32> to vector<1024x128xf32>
    %add3A_56 = vector.broadcast %get3A_54 : vector<1x128xf32> to vector<1024x128xf32>
    %add3A_57 = arith.addf %add3A_55, %add3A_56 : vector<1024x128xf32>
    %slice3A_58 = vector.extract_strided_slice %dot_general3A_8 {offsets = [0, 512], sizes = [1024, 128], strides = [1, 1]} : vector<1024x2048xf32> to vector<1024x128xf32>
    %sub3A_59 = arith.subf %add3A_57, %slice3A_58 : vector<1024x128xf32>
    %lt3A_60 = arith.cmpf olt, %sub3A_59, %select_n3A_48 : vector<1024x128xf32>
    %select_n3A_61 = arith.select %lt3A_60, %sub3A_59, %select_n3A_48 : vector<1024x128xi1>, vector<1024x128xf32>
    %jit3A_62 = arith.constant 4.000000e+00 : f32
    %broadcast_in_dim3A_63 = vector.broadcast %jit3A_62 : f32 to vector<1024x128xf32>
    %select_n3A_64 = arith.select %lt3A_60, %broadcast_in_dim3A_63, %select_n3A_51 : vector<1024x128xi1>, vector<1024x128xf32>
    %get3A_65 = arith.constant 0 : index
    %get3A_66 = arith.constant 640 : index
    %get3A_67 = vector.load %arg4[%get3A_65, %get3A_66] : memref<1x8192xf32, #tpu.memory_space<vmem>>, vector<1x128xf32>
    %add3A_68 = vector.broadcast %get3A_4 : vector<1024x1xf32> to vector<1024x128xf32>
    %add3A_69 = vector.broadcast %get3A_67 : vector<1x128xf32> to vector<1024x128xf32>
    %add3A_70 = arith.addf %add3A_68, %add3A_69 : vector<1024x128xf32>
    %slice3A_71 = vector.extract_strided_slice %dot_general3A_8 {offsets = [0, 640], sizes = [1024, 128], strides = [1, 1]} : vector<1024x2048xf32> to vector<1024x128xf32>
    %sub3A_72 = arith.subf %add3A_70, %slice3A_71 : vector<1024x128xf32>
    %lt3A_73 = arith.cmpf olt, %sub3A_72, %select_n3A_61 : vector<1024x128xf32>
    %select_n3A_74 = arith.select %lt3A_73, %sub3A_72, %select_n3A_61 : vector<1024x128xi1>, vector<1024x128xf32>
    %jit3A_75 = arith.constant 5.000000e+00 : f32
    %broadcast_in_dim3A_76 = vector.broadcast %jit3A_75 : f32 to vector<1024x128xf32>
    %select_n3A_77 = arith.select %lt3A_73, %broadcast_in_dim3A_76, %select_n3A_64 : vector<1024x128xi1>, vector<1024x128xf32>
    %get3A_78 = arith.constant 0 : index
    %get3A_79 = arith.constant 768 : index
    %get3A_80 = vector.load %arg4[%get3A_78, %get3A_79] : memref<1x8192xf32, #tpu.memory_space<vmem>>, vector<1x128xf32>
    %add3A_81 = vector.broadcast %get3A_4 : vector<1024x1xf32> to vector<1024x128xf32>
    %add3A_82 = vector.broadcast %get3A_80 : vector<1x128xf32> to vector<1024x128xf32>
    %add3A_83 = arith.addf %add3A_81, %add3A_82 : vector<1024x128xf32>
    %slice3A_84 = vector.extract_strided_slice %dot_general3A_8 {offsets = [0, 768], sizes = [1024, 128], strides = [1, 1]} : vector<1024x2048xf32> to vector<1024x128xf32>
    %sub3A_85 = arith.subf %add3A_83, %slice3A_84 : vector<1024x128xf32>
    %lt3A_86 = arith.cmpf olt, %sub3A_85, %select_n3A_74 : vector<1024x128xf32>
    %select_n3A_87 = arith.select %lt3A_86, %sub3A_85, %select_n3A_74 : vector<1024x128xi1>, vector<1024x128xf32>
    %jit3A_88 = arith.constant 6.000000e+00 : f32
    %broadcast_in_dim3A_89 = vector.broadcast %jit3A_88 : f32 to vector<1024x128xf32>
    %select_n3A_90 = arith.select %lt3A_86, %broadcast_in_dim3A_89, %select_n3A_77 : vector<1024x128xi1>, vector<1024x128xf32>
    %get3A_91 = arith.constant 0 : index
    %get3A_92 = arith.constant 896 : index
    %get3A_93 = vector.load %arg4[%get3A_91, %get3A_92] : memref<1x8192xf32, #tpu.memory_space<vmem>>, vector<1x128xf32>
    %add3A_94 = vector.broadcast %get3A_4 : vector<1024x1xf32> to vector<1024x128xf32>
    %add3A_95 = vector.broadcast %get3A_93 : vector<1x128xf32> to vector<1024x128xf32>
    %add3A_96 = arith.addf %add3A_94, %add3A_95 : vector<1024x128xf32>
    %slice3A_97 = vector.extract_strided_slice %dot_general3A_8 {offsets = [0, 896], sizes = [1024, 128], strides = [1, 1]} : vector<1024x2048xf32> to vector<1024x128xf32>
    %sub3A_98 = arith.subf %add3A_96, %slice3A_97 : vector<1024x128xf32>
    %lt3A_99 = arith.cmpf olt, %sub3A_98, %select_n3A_87 : vector<1024x128xf32>
    %select_n3A_100 = arith.select %lt3A_99, %sub3A_98, %select_n3A_87 : vector<1024x128xi1>, vector<1024x128xf32>
    %jit3A_101 = arith.constant 7.000000e+00 : f32
    %broadcast_in_dim3A_102 = vector.broadcast %jit3A_101 : f32 to vector<1024x128xf32>
    %select_n3A_103 = arith.select %lt3A_99, %broadcast_in_dim3A_102, %select_n3A_90 : vector<1024x128xi1>, vector<1024x128xf32>
    %get3A_104 = arith.constant 0 : index
    %get3A_105 = arith.constant 1024 : index
    %get3A_106 = vector.load %arg4[%get3A_104, %get3A_105] : memref<1x8192xf32, #tpu.memory_space<vmem>>, vector<1x128xf32>
    %add3A_107 = vector.broadcast %get3A_4 : vector<1024x1xf32> to vector<1024x128xf32>
    %add3A_108 = vector.broadcast %get3A_106 : vector<1x128xf32> to vector<1024x128xf32>
    %add3A_109 = arith.addf %add3A_107, %add3A_108 : vector<1024x128xf32>
    %slice3A_110 = vector.extract_strided_slice %dot_general3A_8 {offsets = [0, 1024], sizes = [1024, 128], strides = [1, 1]} : vector<1024x2048xf32> to vector<1024x128xf32>
    %sub3A_111 = arith.subf %add3A_109, %slice3A_110 : vector<1024x128xf32>
    %lt3A_112 = arith.cmpf olt, %sub3A_111, %select_n3A_100 : vector<1024x128xf32>
    %select_n3A_113 = arith.select %lt3A_112, %sub3A_111, %select_n3A_100 : vector<1024x128xi1>, vector<1024x128xf32>
    %jit3A_114 = arith.constant 8.000000e+00 : f32
    %broadcast_in_dim3A_115 = vector.broadcast %jit3A_114 : f32 to vector<1024x128xf32>
    %select_n3A_116 = arith.select %lt3A_112, %broadcast_in_dim3A_115, %select_n3A_103 : vector<1024x128xi1>, vector<1024x128xf32>
    %get3A_117 = arith.constant 0 : index
    %get3A_118 = arith.constant 1152 : index
    %get3A_119 = vector.load %arg4[%get3A_117, %get3A_118] : memref<1x8192xf32, #tpu.memory_space<vmem>>, vector<1x128xf32>
    %add3A_120 = vector.broadcast %get3A_4 : vector<1024x1xf32> to vector<1024x128xf32>
    %add3A_121 = vector.broadcast %get3A_119 : vector<1x128xf32> to vector<1024x128xf32>
    %add3A_122 = arith.addf %add3A_120, %add3A_121 : vector<1024x128xf32>
    %slice3A_123 = vector.extract_strided_slice %dot_general3A_8 {offsets = [0, 1152], sizes = [1024, 128], strides = [1, 1]} : vector<1024x2048xf32> to vector<1024x128xf32>
    %sub3A_124 = arith.subf %add3A_122, %slice3A_123 : vector<1024x128xf32>
    %lt3A_125 = arith.cmpf olt, %sub3A_124, %select_n3A_113 : vector<1024x128xf32>
    %select_n3A_126 = arith.select %lt3A_125, %sub3A_124, %select_n3A_113 : vector<1024x128xi1>, vector<1024x128xf32>
    %jit3A_127 = arith.constant 9.000000e+00 : f32
    %broadcast_in_dim3A_128 = vector.broadcast %jit3A_127 : f32 to vector<1024x128xf32>
    %select_n3A_129 = arith.select %lt3A_125, %broadcast_in_dim3A_128, %select_n3A_116 : vector<1024x128xi1>, vector<1024x128xf32>
    %get3A_130 = arith.constant 0 : index
    %get3A_131 = arith.constant 1280 : index
    %get3A_132 = vector.load %arg4[%get3A_130, %get3A_131] : memref<1x8192xf32, #tpu.memory_space<vmem>>, vector<1x128xf32>
    %add3A_133 = vector.broadcast %get3A_4 : vector<1024x1xf32> to vector<1024x128xf32>
    %add3A_134 = vector.broadcast %get3A_132 : vector<1x128xf32> to vector<1024x128xf32>
    %add3A_135 = arith.addf %add3A_133, %add3A_134 : vector<1024x128xf32>
    %slice3A_136 = vector.extract_strided_slice %dot_general3A_8 {offsets = [0, 1280], sizes = [1024, 128], strides = [1, 1]} : vector<1024x2048xf32> to vector<1024x128xf32>
    %sub3A_137 = arith.subf %add3A_135, %slice3A_136 : vector<1024x128xf32>
    %lt3A_138 = arith.cmpf olt, %sub3A_137, %select_n3A_126 : vector<1024x128xf32>
    %select_n3A_139 = arith.select %lt3A_138, %sub3A_137, %select_n3A_126 : vector<1024x128xi1>, vector<1024x128xf32>
    %jit3A_140 = arith.constant 1.000000e+01 : f32
    %broadcast_in_dim3A_141 = vector.broadcast %jit3A_140 : f32 to vector<1024x128xf32>
    %select_n3A_142 = arith.select %lt3A_138, %broadcast_in_dim3A_141, %select_n3A_129 : vector<1024x128xi1>, vector<1024x128xf32>
    %get3A_143 = arith.constant 0 : index
    %get3A_144 = arith.constant 1408 : index
    %get3A_145 = vector.load %arg4[%get3A_143, %get3A_144] : memref<1x8192xf32, #tpu.memory_space<vmem>>, vector<1x128xf32>
    %add3A_146 = vector.broadcast %get3A_4 : vector<1024x1xf32> to vector<1024x128xf32>
    %add3A_147 = vector.broadcast %get3A_145 : vector<1x128xf32> to vector<1024x128xf32>
    %add3A_148 = arith.addf %add3A_146, %add3A_147 : vector<1024x128xf32>
    %slice3A_149 = vector.extract_strided_slice %dot_general3A_8 {offsets = [0, 1408], sizes = [1024, 128], strides = [1, 1]} : vector<1024x2048xf32> to vector<1024x128xf32>
    %sub3A_150 = arith.subf %add3A_148, %slice3A_149 : vector<1024x128xf32>
    %lt3A_151 = arith.cmpf olt, %sub3A_150, %select_n3A_139 : vector<1024x128xf32>
    %select_n3A_152 = arith.select %lt3A_151, %sub3A_150, %select_n3A_139 : vector<1024x128xi1>, vector<1024x128xf32>
    %jit3A_153 = arith.constant 1.100000e+01 : f32
    %broadcast_in_dim3A_154 = vector.broadcast %jit3A_153 : f32 to vector<1024x128xf32>
    %select_n3A_155 = arith.select %lt3A_151, %broadcast_in_dim3A_154, %select_n3A_142 : vector<1024x128xi1>, vector<1024x128xf32>
    %get3A_156 = arith.constant 0 : index
    %get3A_157 = arith.constant 1536 : index
    %get3A_158 = vector.load %arg4[%get3A_156, %get3A_157] : memref<1x8192xf32, #tpu.memory_space<vmem>>, vector<1x128xf32>
    %add3A_159 = vector.broadcast %get3A_4 : vector<1024x1xf32> to vector<1024x128xf32>
    %add3A_160 = vector.broadcast %get3A_158 : vector<1x128xf32> to vector<1024x128xf32>
    %add3A_161 = arith.addf %add3A_159, %add3A_160 : vector<1024x128xf32>
    %slice3A_162 = vector.extract_strided_slice %dot_general3A_8 {offsets = [0, 1536], sizes = [1024, 128], strides = [1, 1]} : vector<1024x2048xf32> to vector<1024x128xf32>
    %sub3A_163 = arith.subf %add3A_161, %slice3A_162 : vector<1024x128xf32>
    %lt3A_164 = arith.cmpf olt, %sub3A_163, %select_n3A_152 : vector<1024x128xf32>
    %select_n3A_165 = arith.select %lt3A_164, %sub3A_163, %select_n3A_152 : vector<1024x128xi1>, vector<1024x128xf32>
    %jit3A_166 = arith.constant 1.200000e+01 : f32
    %broadcast_in_dim3A_167 = vector.broadcast %jit3A_166 : f32 to vector<1024x128xf32>
    %select_n3A_168 = arith.select %lt3A_164, %broadcast_in_dim3A_167, %select_n3A_155 : vector<1024x128xi1>, vector<1024x128xf32>
    %get3A_169 = arith.constant 0 : index
    %get3A_170 = arith.constant 1664 : index
    %get3A_171 = vector.load %arg4[%get3A_169, %get3A_170] : memref<1x8192xf32, #tpu.memory_space<vmem>>, vector<1x128xf32>
    %add3A_172 = vector.broadcast %get3A_4 : vector<1024x1xf32> to vector<1024x128xf32>
    %add3A_173 = vector.broadcast %get3A_171 : vector<1x128xf32> to vector<1024x128xf32>
    %add3A_174 = arith.addf %add3A_172, %add3A_173 : vector<1024x128xf32>
    %slice3A_175 = vector.extract_strided_slice %dot_general3A_8 {offsets = [0, 1664], sizes = [1024, 128], strides = [1, 1]} : vector<1024x2048xf32> to vector<1024x128xf32>
    %sub3A_176 = arith.subf %add3A_174, %slice3A_175 : vector<1024x128xf32>
    %lt3A_177 = arith.cmpf olt, %sub3A_176, %select_n3A_165 : vector<1024x128xf32>
    %select_n3A_178 = arith.select %lt3A_177, %sub3A_176, %select_n3A_165 : vector<1024x128xi1>, vector<1024x128xf32>
    %jit3A_179 = arith.constant 1.300000e+01 : f32
    %broadcast_in_dim3A_180 = vector.broadcast %jit3A_179 : f32 to vector<1024x128xf32>
    %select_n3A_181 = arith.select %lt3A_177, %broadcast_in_dim3A_180, %select_n3A_168 : vector<1024x128xi1>, vector<1024x128xf32>
    %get3A_182 = arith.constant 0 : index
    %get3A_183 = arith.constant 1792 : index
    %get3A_184 = vector.load %arg4[%get3A_182, %get3A_183] : memref<1x8192xf32, #tpu.memory_space<vmem>>, vector<1x128xf32>
    %add3A_185 = vector.broadcast %get3A_4 : vector<1024x1xf32> to vector<1024x128xf32>
    %add3A_186 = vector.broadcast %get3A_184 : vector<1x128xf32> to vector<1024x128xf32>
    %add3A_187 = arith.addf %add3A_185, %add3A_186 : vector<1024x128xf32>
    %slice3A_188 = vector.extract_strided_slice %dot_general3A_8 {offsets = [0, 1792], sizes = [1024, 128], strides = [1, 1]} : vector<1024x2048xf32> to vector<1024x128xf32>
    %sub3A_189 = arith.subf %add3A_187, %slice3A_188 : vector<1024x128xf32>
    %lt3A_190 = arith.cmpf olt, %sub3A_189, %select_n3A_178 : vector<1024x128xf32>
    %select_n3A_191 = arith.select %lt3A_190, %sub3A_189, %select_n3A_178 : vector<1024x128xi1>, vector<1024x128xf32>
    %jit3A_192 = arith.constant 1.400000e+01 : f32
    %broadcast_in_dim3A_193 = vector.broadcast %jit3A_192 : f32 to vector<1024x128xf32>
    %select_n3A_194 = arith.select %lt3A_190, %broadcast_in_dim3A_193, %select_n3A_181 : vector<1024x128xi1>, vector<1024x128xf32>
    %get3A_195 = arith.constant 0 : index
    %get3A_196 = arith.constant 1920 : index
    %get3A_197 = vector.load %arg4[%get3A_195, %get3A_196] : memref<1x8192xf32, #tpu.memory_space<vmem>>, vector<1x128xf32>
    %add3A_198 = vector.broadcast %get3A_4 : vector<1024x1xf32> to vector<1024x128xf32>
    %add3A_199 = vector.broadcast %get3A_197 : vector<1x128xf32> to vector<1024x128xf32>
    %add3A_200 = arith.addf %add3A_198, %add3A_199 : vector<1024x128xf32>
    %slice3A_201 = vector.extract_strided_slice %dot_general3A_8 {offsets = [0, 1920], sizes = [1024, 128], strides = [1, 1]} : vector<1024x2048xf32> to vector<1024x128xf32>
    %sub3A_202 = arith.subf %add3A_200, %slice3A_201 : vector<1024x128xf32>
    %lt3A_203 = arith.cmpf olt, %sub3A_202, %select_n3A_191 : vector<1024x128xf32>
    %select_n3A_204 = arith.select %lt3A_203, %sub3A_202, %select_n3A_191 : vector<1024x128xi1>, vector<1024x128xf32>
    %jit3A_205 = arith.constant 1.500000e+01 : f32
    %broadcast_in_dim3A_206 = vector.broadcast %jit3A_205 : f32 to vector<1024x128xf32>
    %select_n3A_207 = arith.select %lt3A_203, %broadcast_in_dim3A_206, %select_n3A_194 : vector<1024x128xi1>, vector<1024x128xf32>
    %get3A_208 = arith.constant 2048 : index
    %get3A_209 = arith.constant 0 : index
    %get3A_210 = vector.load %arg2[%get3A_208, %get3A_209] : memref<8192x32xf32, #tpu.memory_space<vmem>>, vector<2048x32xf32>
    %dot_general3A_211 = arith.constant dense<0.000000e+00> : vector<1024x2048xf32>
    %dot_general3A_212 = tpu.matmul %add3A, %get3A_210, %dot_general3A_211 {dimension_numbers = #tpu.dot_dimension_numbers<[1], [1], [0], [0], [0, 0, 1, 0], [], []>, transpose_lhs_hint = false} : vector<1024x32xf32>, vector<2048x32xf32>, vector<1024x2048xf32> -> vector<1024x2048xf32>
    %get3A_213 = arith.constant 0 : index
    %get3A_214 = arith.constant 2048 : index
    %get3A_215 = vector.load %arg4[%get3A_213, %get3A_214] : memref<1x8192xf32, #tpu.memory_space<vmem>>, vector<1x128xf32>
    %add3A_216 = vector.broadcast %get3A_4 : vector<1024x1xf32> to vector<1024x128xf32>
    %add3A_217 = vector.broadcast %get3A_215 : vector<1x128xf32> to vector<1024x128xf32>
    %add3A_218 = arith.addf %add3A_216, %add3A_217 : vector<1024x128xf32>
    %slice3A_219 = vector.extract_strided_slice %dot_general3A_212 {offsets = [0, 0], sizes = [1024, 128], strides = [1, 1]} : vector<1024x2048xf32> to vector<1024x128xf32>
    %sub3A_220 = arith.subf %add3A_218, %slice3A_219 : vector<1024x128xf32>
    %lt3A_221 = arith.cmpf olt, %sub3A_220, %select_n3A_204 : vector<1024x128xf32>
    %select_n3A_222 = arith.select %lt3A_221, %sub3A_220, %select_n3A_204 : vector<1024x128xi1>, vector<1024x128xf32>
    %jit3A_223 = arith.constant 1.600000e+01 : f32
    %broadcast_in_dim3A_224 = vector.broadcast %jit3A_223 : f32 to vector<1024x128xf32>
    %select_n3A_225 = arith.select %lt3A_221, %broadcast_in_dim3A_224, %select_n3A_207 : vector<1024x128xi1>, vector<1024x128xf32>
    %get3A_226 = arith.constant 0 : index
    %get3A_227 = arith.constant 2176 : index
    %get3A_228 = vector.load %arg4[%get3A_226, %get3A_227] : memref<1x8192xf32, #tpu.memory_space<vmem>>, vector<1x128xf32>
    %add3A_229 = vector.broadcast %get3A_4 : vector<1024x1xf32> to vector<1024x128xf32>
    %add3A_230 = vector.broadcast %get3A_228 : vector<1x128xf32> to vector<1024x128xf32>
    %add3A_231 = arith.addf %add3A_229, %add3A_230 : vector<1024x128xf32>
    %slice3A_232 = vector.extract_strided_slice %dot_general3A_212 {offsets = [0, 128], sizes = [1024, 128], strides = [1, 1]} : vector<1024x2048xf32> to vector<1024x128xf32>
    %sub3A_233 = arith.subf %add3A_231, %slice3A_232 : vector<1024x128xf32>
    %lt3A_234 = arith.cmpf olt, %sub3A_233, %select_n3A_222 : vector<1024x128xf32>
    %select_n3A_235 = arith.select %lt3A_234, %sub3A_233, %select_n3A_222 : vector<1024x128xi1>, vector<1024x128xf32>
    %jit3A_236 = arith.constant 1.700000e+01 : f32
    %broadcast_in_dim3A_237 = vector.broadcast %jit3A_236 : f32 to vector<1024x128xf32>
    %select_n3A_238 = arith.select %lt3A_234, %broadcast_in_dim3A_237, %select_n3A_225 : vector<1024x128xi1>, vector<1024x128xf32>
    %get3A_239 = arith.constant 0 : index
    %get3A_240 = arith.constant 2304 : index
    %get3A_241 = vector.load %arg4[%get3A_239, %get3A_240] : memref<1x8192xf32, #tpu.memory_space<vmem>>, vector<1x128xf32>
    %add3A_242 = vector.broadcast %get3A_4 : vector<1024x1xf32> to vector<1024x128xf32>
    %add3A_243 = vector.broadcast %get3A_241 : vector<1x128xf32> to vector<1024x128xf32>
    %add3A_244 = arith.addf %add3A_242, %add3A_243 : vector<1024x128xf32>
    %slice3A_245 = vector.extract_strided_slice %dot_general3A_212 {offsets = [0, 256], sizes = [1024, 128], strides = [1, 1]} : vector<1024x2048xf32> to vector<1024x128xf32>
    %sub3A_246 = arith.subf %add3A_244, %slice3A_245 : vector<1024x128xf32>
    %lt3A_247 = arith.cmpf olt, %sub3A_246, %select_n3A_235 : vector<1024x128xf32>
    %select_n3A_248 = arith.select %lt3A_247, %sub3A_246, %select_n3A_235 : vector<1024x128xi1>, vector<1024x128xf32>
    %jit3A_249 = arith.constant 1.800000e+01 : f32
    %broadcast_in_dim3A_250 = vector.broadcast %jit3A_249 : f32 to vector<1024x128xf32>
    %select_n3A_251 = arith.select %lt3A_247, %broadcast_in_dim3A_250, %select_n3A_238 : vector<1024x128xi1>, vector<1024x128xf32>
    %get3A_252 = arith.constant 0 : index
    %get3A_253 = arith.constant 2432 : index
    %get3A_254 = vector.load %arg4[%get3A_252, %get3A_253] : memref<1x8192xf32, #tpu.memory_space<vmem>>, vector<1x128xf32>
    %add3A_255 = vector.broadcast %get3A_4 : vector<1024x1xf32> to vector<1024x128xf32>
    %add3A_256 = vector.broadcast %get3A_254 : vector<1x128xf32> to vector<1024x128xf32>
    %add3A_257 = arith.addf %add3A_255, %add3A_256 : vector<1024x128xf32>
    %slice3A_258 = vector.extract_strided_slice %dot_general3A_212 {offsets = [0, 384], sizes = [1024, 128], strides = [1, 1]} : vector<1024x2048xf32> to vector<1024x128xf32>
    %sub3A_259 = arith.subf %add3A_257, %slice3A_258 : vector<1024x128xf32>
    %lt3A_260 = arith.cmpf olt, %sub3A_259, %select_n3A_248 : vector<1024x128xf32>
    %select_n3A_261 = arith.select %lt3A_260, %sub3A_259, %select_n3A_248 : vector<1024x128xi1>, vector<1024x128xf32>
    %jit3A_262 = arith.constant 1.900000e+01 : f32
    %broadcast_in_dim3A_263 = vector.broadcast %jit3A_262 : f32 to vector<1024x128xf32>
    %select_n3A_264 = arith.select %lt3A_260, %broadcast_in_dim3A_263, %select_n3A_251 : vector<1024x128xi1>, vector<1024x128xf32>
    %get3A_265 = arith.constant 0 : index
    %get3A_266 = arith.constant 2560 : index
    %get3A_267 = vector.load %arg4[%get3A_265, %get3A_266] : memref<1x8192xf32, #tpu.memory_space<vmem>>, vector<1x128xf32>
    %add3A_268 = vector.broadcast %get3A_4 : vector<1024x1xf32> to vector<1024x128xf32>
    %add3A_269 = vector.broadcast %get3A_267 : vector<1x128xf32> to vector<1024x128xf32>
    %add3A_270 = arith.addf %add3A_268, %add3A_269 : vector<1024x128xf32>
    %slice3A_271 = vector.extract_strided_slice %dot_general3A_212 {offsets = [0, 512], sizes = [1024, 128], strides = [1, 1]} : vector<1024x2048xf32> to vector<1024x128xf32>
    %sub3A_272 = arith.subf %add3A_270, %slice3A_271 : vector<1024x128xf32>
    %lt3A_273 = arith.cmpf olt, %sub3A_272, %select_n3A_261 : vector<1024x128xf32>
    %select_n3A_274 = arith.select %lt3A_273, %sub3A_272, %select_n3A_261 : vector<1024x128xi1>, vector<1024x128xf32>
    %jit3A_275 = arith.constant 2.000000e+01 : f32
    %broadcast_in_dim3A_276 = vector.broadcast %jit3A_275 : f32 to vector<1024x128xf32>
    %select_n3A_277 = arith.select %lt3A_273, %broadcast_in_dim3A_276, %select_n3A_264 : vector<1024x128xi1>, vector<1024x128xf32>
    %get3A_278 = arith.constant 0 : index
    %get3A_279 = arith.constant 2688 : index
    %get3A_280 = vector.load %arg4[%get3A_278, %get3A_279] : memref<1x8192xf32, #tpu.memory_space<vmem>>, vector<1x128xf32>
    %add3A_281 = vector.broadcast %get3A_4 : vector<1024x1xf32> to vector<1024x128xf32>
    %add3A_282 = vector.broadcast %get3A_280 : vector<1x128xf32> to vector<1024x128xf32>
    %add3A_283 = arith.addf %add3A_281, %add3A_282 : vector<1024x128xf32>
    %slice3A_284 = vector.extract_strided_slice %dot_general3A_212 {offsets = [0, 640], sizes = [1024, 128], strides = [1, 1]} : vector<1024x2048xf32> to vector<1024x128xf32>
    %sub3A_285 = arith.subf %add3A_283, %slice3A_284 : vector<1024x128xf32>
    %lt3A_286 = arith.cmpf olt, %sub3A_285, %select_n3A_274 : vector<1024x128xf32>
    %select_n3A_287 = arith.select %lt3A_286, %sub3A_285, %select_n3A_274 : vector<1024x128xi1>, vector<1024x128xf32>
    %jit3A_288 = arith.constant 2.100000e+01 : f32
    %broadcast_in_dim3A_289 = vector.broadcast %jit3A_288 : f32 to vector<1024x128xf32>
    %select_n3A_290 = arith.select %lt3A_286, %broadcast_in_dim3A_289, %select_n3A_277 : vector<1024x128xi1>, vector<1024x128xf32>
    %get3A_291 = arith.constant 0 : index
    %get3A_292 = arith.constant 2816 : index
    %get3A_293 = vector.load %arg4[%get3A_291, %get3A_292] : memref<1x8192xf32, #tpu.memory_space<vmem>>, vector<1x128xf32>
    %add3A_294 = vector.broadcast %get3A_4 : vector<1024x1xf32> to vector<1024x128xf32>
    %add3A_295 = vector.broadcast %get3A_293 : vector<1x128xf32> to vector<1024x128xf32>
    %add3A_296 = arith.addf %add3A_294, %add3A_295 : vector<1024x128xf32>
    %slice3A_297 = vector.extract_strided_slice %dot_general3A_212 {offsets = [0, 768], sizes = [1024, 128], strides = [1, 1]} : vector<1024x2048xf32> to vector<1024x128xf32>
    %sub3A_298 = arith.subf %add3A_296, %slice3A_297 : vector<1024x128xf32>
    %lt3A_299 = arith.cmpf olt, %sub3A_298, %select_n3A_287 : vector<1024x128xf32>
    %select_n3A_300 = arith.select %lt3A_299, %sub3A_298, %select_n3A_287 : vector<1024x128xi1>, vector<1024x128xf32>
    %jit3A_301 = arith.constant 2.200000e+01 : f32
    %broadcast_in_dim3A_302 = vector.broadcast %jit3A_301 : f32 to vector<1024x128xf32>
    %select_n3A_303 = arith.select %lt3A_299, %broadcast_in_dim3A_302, %select_n3A_290 : vector<1024x128xi1>, vector<1024x128xf32>
    %get3A_304 = arith.constant 0 : index
    %get3A_305 = arith.constant 2944 : index
    %get3A_306 = vector.load %arg4[%get3A_304, %get3A_305] : memref<1x8192xf32, #tpu.memory_space<vmem>>, vector<1x128xf32>
    %add3A_307 = vector.broadcast %get3A_4 : vector<1024x1xf32> to vector<1024x128xf32>
    %add3A_308 = vector.broadcast %get3A_306 : vector<1x128xf32> to vector<1024x128xf32>
    %add3A_309 = arith.addf %add3A_307, %add3A_308 : vector<1024x128xf32>
    %slice3A_310 = vector.extract_strided_slice %dot_general3A_212 {offsets = [0, 896], sizes = [1024, 128], strides = [1, 1]} : vector<1024x2048xf32> to vector<1024x128xf32>
    %sub3A_311 = arith.subf %add3A_309, %slice3A_310 : vector<1024x128xf32>
    %lt3A_312 = arith.cmpf olt, %sub3A_311, %select_n3A_300 : vector<1024x128xf32>
    %select_n3A_313 = arith.select %lt3A_312, %sub3A_311, %select_n3A_300 : vector<1024x128xi1>, vector<1024x128xf32>
    %jit3A_314 = arith.constant 2.300000e+01 : f32
    %broadcast_in_dim3A_315 = vector.broadcast %jit3A_314 : f32 to vector<1024x128xf32>
    %select_n3A_316 = arith.select %lt3A_312, %broadcast_in_dim3A_315, %select_n3A_303 : vector<1024x128xi1>, vector<1024x128xf32>
    %get3A_317 = arith.constant 0 : index
    %get3A_318 = arith.constant 3072 : index
    %get3A_319 = vector.load %arg4[%get3A_317, %get3A_318] : memref<1x8192xf32, #tpu.memory_space<vmem>>, vector<1x128xf32>
    %add3A_320 = vector.broadcast %get3A_4 : vector<1024x1xf32> to vector<1024x128xf32>
    %add3A_321 = vector.broadcast %get3A_319 : vector<1x128xf32> to vector<1024x128xf32>
    %add3A_322 = arith.addf %add3A_320, %add3A_321 : vector<1024x128xf32>
    %slice3A_323 = vector.extract_strided_slice %dot_general3A_212 {offsets = [0, 1024], sizes = [1024, 128], strides = [1, 1]} : vector<1024x2048xf32> to vector<1024x128xf32>
    %sub3A_324 = arith.subf %add3A_322, %slice3A_323 : vector<1024x128xf32>
    %lt3A_325 = arith.cmpf olt, %sub3A_324, %select_n3A_313 : vector<1024x128xf32>
    %select_n3A_326 = arith.select %lt3A_325, %sub3A_324, %select_n3A_313 : vector<1024x128xi1>, vector<1024x128xf32>
    %jit3A_327 = arith.constant 2.400000e+01 : f32
    %broadcast_in_dim3A_328 = vector.broadcast %jit3A_327 : f32 to vector<1024x128xf32>
    %select_n3A_329 = arith.select %lt3A_325, %broadcast_in_dim3A_328, %select_n3A_316 : vector<1024x128xi1>, vector<1024x128xf32>
    %get3A_330 = arith.constant 0 : index
    %get3A_331 = arith.constant 3200 : index
    %get3A_332 = vector.load %arg4[%get3A_330, %get3A_331] : memref<1x8192xf32, #tpu.memory_space<vmem>>, vector<1x128xf32>
    %add3A_333 = vector.broadcast %get3A_4 : vector<1024x1xf32> to vector<1024x128xf32>
    %add3A_334 = vector.broadcast %get3A_332 : vector<1x128xf32> to vector<1024x128xf32>
    %add3A_335 = arith.addf %add3A_333, %add3A_334 : vector<1024x128xf32>
    %slice3A_336 = vector.extract_strided_slice %dot_general3A_212 {offsets = [0, 1152], sizes = [1024, 128], strides = [1, 1]} : vector<1024x2048xf32> to vector<1024x128xf32>
    %sub3A_337 = arith.subf %add3A_335, %slice3A_336 : vector<1024x128xf32>
    %lt3A_338 = arith.cmpf olt, %sub3A_337, %select_n3A_326 : vector<1024x128xf32>
    %select_n3A_339 = arith.select %lt3A_338, %sub3A_337, %select_n3A_326 : vector<1024x128xi1>, vector<1024x128xf32>
    %jit3A_340 = arith.constant 2.500000e+01 : f32
    %broadcast_in_dim3A_341 = vector.broadcast %jit3A_340 : f32 to vector<1024x128xf32>
    %select_n3A_342 = arith.select %lt3A_338, %broadcast_in_dim3A_341, %select_n3A_329 : vector<1024x128xi1>, vector<1024x128xf32>
    %get3A_343 = arith.constant 0 : index
    %get3A_344 = arith.constant 3328 : index
    %get3A_345 = vector.load %arg4[%get3A_343, %get3A_344] : memref<1x8192xf32, #tpu.memory_space<vmem>>, vector<1x128xf32>
    %add3A_346 = vector.broadcast %get3A_4 : vector<1024x1xf32> to vector<1024x128xf32>
    %add3A_347 = vector.broadcast %get3A_345 : vector<1x128xf32> to vector<1024x128xf32>
    %add3A_348 = arith.addf %add3A_346, %add3A_347 : vector<1024x128xf32>
    %slice3A_349 = vector.extract_strided_slice %dot_general3A_212 {offsets = [0, 1280], sizes = [1024, 128], strides = [1, 1]} : vector<1024x2048xf32> to vector<1024x128xf32>
    %sub3A_350 = arith.subf %add3A_348, %slice3A_349 : vector<1024x128xf32>
    %lt3A_351 = arith.cmpf olt, %sub3A_350, %select_n3A_339 : vector<1024x128xf32>
    %select_n3A_352 = arith.select %lt3A_351, %sub3A_350, %select_n3A_339 : vector<1024x128xi1>, vector<1024x128xf32>
    %jit3A_353 = arith.constant 2.600000e+01 : f32
    %broadcast_in_dim3A_354 = vector.broadcast %jit3A_353 : f32 to vector<1024x128xf32>
    %select_n3A_355 = arith.select %lt3A_351, %broadcast_in_dim3A_354, %select_n3A_342 : vector<1024x128xi1>, vector<1024x128xf32>
    %get3A_356 = arith.constant 0 : index
    %get3A_357 = arith.constant 3456 : index
    %get3A_358 = vector.load %arg4[%get3A_356, %get3A_357] : memref<1x8192xf32, #tpu.memory_space<vmem>>, vector<1x128xf32>
    %add3A_359 = vector.broadcast %get3A_4 : vector<1024x1xf32> to vector<1024x128xf32>
    %add3A_360 = vector.broadcast %get3A_358 : vector<1x128xf32> to vector<1024x128xf32>
    %add3A_361 = arith.addf %add3A_359, %add3A_360 : vector<1024x128xf32>
    %slice3A_362 = vector.extract_strided_slice %dot_general3A_212 {offsets = [0, 1408], sizes = [1024, 128], strides = [1, 1]} : vector<1024x2048xf32> to vector<1024x128xf32>
    %sub3A_363 = arith.subf %add3A_361, %slice3A_362 : vector<1024x128xf32>
    %lt3A_364 = arith.cmpf olt, %sub3A_363, %select_n3A_352 : vector<1024x128xf32>
    %select_n3A_365 = arith.select %lt3A_364, %sub3A_363, %select_n3A_352 : vector<1024x128xi1>, vector<1024x128xf32>
    %jit3A_366 = arith.constant 2.700000e+01 : f32
    %broadcast_in_dim3A_367 = vector.broadcast %jit3A_366 : f32 to vector<1024x128xf32>
    %select_n3A_368 = arith.select %lt3A_364, %broadcast_in_dim3A_367, %select_n3A_355 : vector<1024x128xi1>, vector<1024x128xf32>
    %get3A_369 = arith.constant 0 : index
    %get3A_370 = arith.constant 3584 : index
    %get3A_371 = vector.load %arg4[%get3A_369, %get3A_370] : memref<1x8192xf32, #tpu.memory_space<vmem>>, vector<1x128xf32>
    %add3A_372 = vector.broadcast %get3A_4 : vector<1024x1xf32> to vector<1024x128xf32>
    %add3A_373 = vector.broadcast %get3A_371 : vector<1x128xf32> to vector<1024x128xf32>
    %add3A_374 = arith.addf %add3A_372, %add3A_373 : vector<1024x128xf32>
    %slice3A_375 = vector.extract_strided_slice %dot_general3A_212 {offsets = [0, 1536], sizes = [1024, 128], strides = [1, 1]} : vector<1024x2048xf32> to vector<1024x128xf32>
    %sub3A_376 = arith.subf %add3A_374, %slice3A_375 : vector<1024x128xf32>
    %lt3A_377 = arith.cmpf olt, %sub3A_376, %select_n3A_365 : vector<1024x128xf32>
    %select_n3A_378 = arith.select %lt3A_377, %sub3A_376, %select_n3A_365 : vector<1024x128xi1>, vector<1024x128xf32>
    %jit3A_379 = arith.constant 2.800000e+01 : f32
    %broadcast_in_dim3A_380 = vector.broadcast %jit3A_379 : f32 to vector<1024x128xf32>
    %select_n3A_381 = arith.select %lt3A_377, %broadcast_in_dim3A_380, %select_n3A_368 : vector<1024x128xi1>, vector<1024x128xf32>
    %get3A_382 = arith.constant 0 : index
    %get3A_383 = arith.constant 3712 : index
    %get3A_384 = vector.load %arg4[%get3A_382, %get3A_383] : memref<1x8192xf32, #tpu.memory_space<vmem>>, vector<1x128xf32>
    %add3A_385 = vector.broadcast %get3A_4 : vector<1024x1xf32> to vector<1024x128xf32>
    %add3A_386 = vector.broadcast %get3A_384 : vector<1x128xf32> to vector<1024x128xf32>
    %add3A_387 = arith.addf %add3A_385, %add3A_386 : vector<1024x128xf32>
    %slice3A_388 = vector.extract_strided_slice %dot_general3A_212 {offsets = [0, 1664], sizes = [1024, 128], strides = [1, 1]} : vector<1024x2048xf32> to vector<1024x128xf32>
    %sub3A_389 = arith.subf %add3A_387, %slice3A_388 : vector<1024x128xf32>
    %lt3A_390 = arith.cmpf olt, %sub3A_389, %select_n3A_378 : vector<1024x128xf32>
    %select_n3A_391 = arith.select %lt3A_390, %sub3A_389, %select_n3A_378 : vector<1024x128xi1>, vector<1024x128xf32>
    %jit3A_392 = arith.constant 2.900000e+01 : f32
    %broadcast_in_dim3A_393 = vector.broadcast %jit3A_392 : f32 to vector<1024x128xf32>
    %select_n3A_394 = arith.select %lt3A_390, %broadcast_in_dim3A_393, %select_n3A_381 : vector<1024x128xi1>, vector<1024x128xf32>
    %get3A_395 = arith.constant 0 : index
    %get3A_396 = arith.constant 3840 : index
    %get3A_397 = vector.load %arg4[%get3A_395, %get3A_396] : memref<1x8192xf32, #tpu.memory_space<vmem>>, vector<1x128xf32>
    %add3A_398 = vector.broadcast %get3A_4 : vector<1024x1xf32> to vector<1024x128xf32>
    %add3A_399 = vector.broadcast %get3A_397 : vector<1x128xf32> to vector<1024x128xf32>
    %add3A_400 = arith.addf %add3A_398, %add3A_399 : vector<1024x128xf32>
    %slice3A_401 = vector.extract_strided_slice %dot_general3A_212 {offsets = [0, 1792], sizes = [1024, 128], strides = [1, 1]} : vector<1024x2048xf32> to vector<1024x128xf32>
    %sub3A_402 = arith.subf %add3A_400, %slice3A_401 : vector<1024x128xf32>
    %lt3A_403 = arith.cmpf olt, %sub3A_402, %select_n3A_391 : vector<1024x128xf32>
    %select_n3A_404 = arith.select %lt3A_403, %sub3A_402, %select_n3A_391 : vector<1024x128xi1>, vector<1024x128xf32>
    %jit3A_405 = arith.constant 3.000000e+01 : f32
    %broadcast_in_dim3A_406 = vector.broadcast %jit3A_405 : f32 to vector<1024x128xf32>
    %select_n3A_407 = arith.select %lt3A_403, %broadcast_in_dim3A_406, %select_n3A_394 : vector<1024x128xi1>, vector<1024x128xf32>
    %get3A_408 = arith.constant 0 : index
    %get3A_409 = arith.constant 3968 : index
    %get3A_410 = vector.load %arg4[%get3A_408, %get3A_409] : memref<1x8192xf32, #tpu.memory_space<vmem>>, vector<1x128xf32>
    %add3A_411 = vector.broadcast %get3A_4 : vector<1024x1xf32> to vector<1024x128xf32>
    %add3A_412 = vector.broadcast %get3A_410 : vector<1x128xf32> to vector<1024x128xf32>
    %add3A_413 = arith.addf %add3A_411, %add3A_412 : vector<1024x128xf32>
    %slice3A_414 = vector.extract_strided_slice %dot_general3A_212 {offsets = [0, 1920], sizes = [1024, 128], strides = [1, 1]} : vector<1024x2048xf32> to vector<1024x128xf32>
    %sub3A_415 = arith.subf %add3A_413, %slice3A_414 : vector<1024x128xf32>
    %lt3A_416 = arith.cmpf olt, %sub3A_415, %select_n3A_404 : vector<1024x128xf32>
    %select_n3A_417 = arith.select %lt3A_416, %sub3A_415, %select_n3A_404 : vector<1024x128xi1>, vector<1024x128xf32>
    %jit3A_418 = arith.constant 3.100000e+01 : f32
    %broadcast_in_dim3A_419 = vector.broadcast %jit3A_418 : f32 to vector<1024x128xf32>
    %select_n3A_420 = arith.select %lt3A_416, %broadcast_in_dim3A_419, %select_n3A_407 : vector<1024x128xi1>, vector<1024x128xf32>
    %reduce_min3A = arith.constant dense<0x7F800000> : vector<1024xf32>
    %reduce_min3A_421 = vector.multi_reduction <minimumf>, %select_n3A_417, %reduce_min3A [1] : vector<1024x128xf32> to vector<1024xf32>
    %broadcast_in_dim3A_422 = vector.shape_cast %reduce_min3A_421 : vector<1024xf32> to vector<1024x1xf32>
    %mul3A = arith.constant 1.280000e+02 : f32
    %mul3A_423 = vector.broadcast %mul3A : f32 to vector<1024x128xf32>
    %mul3A_424 = arith.mulf %select_n3A_420, %mul3A_423 : vector<1024x128xf32>
    %add3A_425 = arith.addf %mul3A_424, %convert_element_type3A : vector<1024x128xf32>
    %eq3A = vector.broadcast %broadcast_in_dim3A_422 : vector<1024x1xf32> to vector<1024x128xf32>
    %eq3A_426 = arith.cmpf oeq, %select_n3A_417, %eq3A : vector<1024x128xf32>
    %jit3A_427 = arith.constant 8.192000e+03 : f32
    %broadcast_in_dim3A_428 = vector.broadcast %jit3A_427 : f32 to vector<1024x128xf32>
    %select_n3A_429 = arith.select %eq3A_426, %add3A_425, %broadcast_in_dim3A_428 : vector<1024x128xi1>, vector<1024x128xf32>
    %reduce_min3A_430 = arith.constant dense<0x7F800000> : vector<1024xf32>
    %reduce_min3A_431 = vector.multi_reduction <minimumf>, %select_n3A_429, %reduce_min3A_430 [1] : vector<1024x128xf32> to vector<1024xf32>
    %broadcast_in_dim3A_432 = vector.shape_cast %reduce_min3A_431 : vector<1024xf32> to vector<1024x1xf32>
    %add3A_433 = arith.constant 0.000000e+00 : f32
    %add3A_434 = vector.broadcast %add3A_433 : f32 to vector<1024x1xf32>
    %add3A_435 = arith.addf %broadcast_in_dim3A_432, %add3A_434 : vector<1024x1xf32>
    %get3A_436 = arith.constant 4096 : index
    %get3A_437 = arith.constant 0 : index
    %get3A_438 = vector.load %arg2[%get3A_436, %get3A_437] : memref<8192x32xf32, #tpu.memory_space<vmem>>, vector<2048x32xf32>
    %dot_general3A_439 = arith.constant dense<0.000000e+00> : vector<1024x2048xf32>
    %dot_general3A_440 = tpu.matmul %add3A, %get3A_438, %dot_general3A_439 {dimension_numbers = #tpu.dot_dimension_numbers<[1], [1], [0], [0], [0, 0, 1, 0], [], []>, transpose_lhs_hint = false} : vector<1024x32xf32>, vector<2048x32xf32>, vector<1024x2048xf32> -> vector<1024x2048xf32>
    %get3A_441 = arith.constant 0 : index
    %get3A_442 = arith.constant 4096 : index
    %get3A_443 = vector.load %arg4[%get3A_441, %get3A_442] : memref<1x8192xf32, #tpu.memory_space<vmem>>, vector<1x128xf32>
    %add3A_444 = vector.broadcast %get3A_4 : vector<1024x1xf32> to vector<1024x128xf32>
    %add3A_445 = vector.broadcast %get3A_443 : vector<1x128xf32> to vector<1024x128xf32>
    %add3A_446 = arith.addf %add3A_444, %add3A_445 : vector<1024x128xf32>
    %slice3A_447 = vector.extract_strided_slice %dot_general3A_440 {offsets = [0, 0], sizes = [1024, 128], strides = [1, 1]} : vector<1024x2048xf32> to vector<1024x128xf32>
    %sub3A_448 = arith.subf %add3A_446, %slice3A_447 : vector<1024x128xf32>
    %broadcast_in_dim3A_449 = arith.constant 0.000000e+00 : f32
    %broadcast_in_dim3A_450 = vector.broadcast %broadcast_in_dim3A_449 : f32 to vector<1024x128xf32>
    %get3A_451 = arith.constant 0 : index
    %get3A_452 = arith.constant 4224 : index
    %get3A_453 = vector.load %arg4[%get3A_451, %get3A_452] : memref<1x8192xf32, #tpu.memory_space<vmem>>, vector<1x128xf32>
    %add3A_454 = vector.broadcast %get3A_4 : vector<1024x1xf32> to vector<1024x128xf32>
    %add3A_455 = vector.broadcast %get3A_453 : vector<1x128xf32> to vector<1024x128xf32>
    %add3A_456 = arith.addf %add3A_454, %add3A_455 : vector<1024x128xf32>
    %slice3A_457 = vector.extract_strided_slice %dot_general3A_440 {offsets = [0, 128], sizes = [1024, 128], strides = [1, 1]} : vector<1024x2048xf32> to vector<1024x128xf32>
    %sub3A_458 = arith.subf %add3A_456, %slice3A_457 : vector<1024x128xf32>
    %lt3A_459 = arith.cmpf olt, %sub3A_458, %sub3A_448 : vector<1024x128xf32>
    %select_n3A_460 = arith.select %lt3A_459, %sub3A_458, %sub3A_448 : vector<1024x128xi1>, vector<1024x128xf32>
    %jit3A_461 = arith.constant 1.000000e+00 : f32
    %broadcast_in_dim3A_462 = vector.broadcast %jit3A_461 : f32 to vector<1024x128xf32>
    %select_n3A_463 = arith.select %lt3A_459, %broadcast_in_dim3A_462, %broadcast_in_dim3A_450 : vector<1024x128xi1>, vector<1024x128xf32>
    %get3A_464 = arith.constant 0 : index
    %get3A_465 = arith.constant 4352 : index
    %get3A_466 = vector.load %arg4[%get3A_464, %get3A_465] : memref<1x8192xf32, #tpu.memory_space<vmem>>, vector<1x128xf32>
    %add3A_467 = vector.broadcast %get3A_4 : vector<1024x1xf32> to vector<1024x128xf32>
    %add3A_468 = vector.broadcast %get3A_466 : vector<1x128xf32> to vector<1024x128xf32>
    %add3A_469 = arith.addf %add3A_467, %add3A_468 : vector<1024x128xf32>
    %slice3A_470 = vector.extract_strided_slice %dot_general3A_440 {offsets = [0, 256], sizes = [1024, 128], strides = [1, 1]} : vector<1024x2048xf32> to vector<1024x128xf32>
    %sub3A_471 = arith.subf %add3A_469, %slice3A_470 : vector<1024x128xf32>
    %lt3A_472 = arith.cmpf olt, %sub3A_471, %select_n3A_460 : vector<1024x128xf32>
    %select_n3A_473 = arith.select %lt3A_472, %sub3A_471, %select_n3A_460 : vector<1024x128xi1>, vector<1024x128xf32>
    %jit3A_474 = arith.constant 2.000000e+00 : f32
    %broadcast_in_dim3A_475 = vector.broadcast %jit3A_474 : f32 to vector<1024x128xf32>
    %select_n3A_476 = arith.select %lt3A_472, %broadcast_in_dim3A_475, %select_n3A_463 : vector<1024x128xi1>, vector<1024x128xf32>
    %get3A_477 = arith.constant 0 : index
    %get3A_478 = arith.constant 4480 : index
    %get3A_479 = vector.load %arg4[%get3A_477, %get3A_478] : memref<1x8192xf32, #tpu.memory_space<vmem>>, vector<1x128xf32>
    %add3A_480 = vector.broadcast %get3A_4 : vector<1024x1xf32> to vector<1024x128xf32>
    %add3A_481 = vector.broadcast %get3A_479 : vector<1x128xf32> to vector<1024x128xf32>
    %add3A_482 = arith.addf %add3A_480, %add3A_481 : vector<1024x128xf32>
    %slice3A_483 = vector.extract_strided_slice %dot_general3A_440 {offsets = [0, 384], sizes = [1024, 128], strides = [1, 1]} : vector<1024x2048xf32> to vector<1024x128xf32>
    %sub3A_484 = arith.subf %add3A_482, %slice3A_483 : vector<1024x128xf32>
    %lt3A_485 = arith.cmpf olt, %sub3A_484, %select_n3A_473 : vector<1024x128xf32>
    %select_n3A_486 = arith.select %lt3A_485, %sub3A_484, %select_n3A_473 : vector<1024x128xi1>, vector<1024x128xf32>
    %jit3A_487 = arith.constant 3.000000e+00 : f32
    %broadcast_in_dim3A_488 = vector.broadcast %jit3A_487 : f32 to vector<1024x128xf32>
    %select_n3A_489 = arith.select %lt3A_485, %broadcast_in_dim3A_488, %select_n3A_476 : vector<1024x128xi1>, vector<1024x128xf32>
    %get3A_490 = arith.constant 0 : index
    %get3A_491 = arith.constant 4608 : index
    %get3A_492 = vector.load %arg4[%get3A_490, %get3A_491] : memref<1x8192xf32, #tpu.memory_space<vmem>>, vector<1x128xf32>
    %add3A_493 = vector.broadcast %get3A_4 : vector<1024x1xf32> to vector<1024x128xf32>
    %add3A_494 = vector.broadcast %get3A_492 : vector<1x128xf32> to vector<1024x128xf32>
    %add3A_495 = arith.addf %add3A_493, %add3A_494 : vector<1024x128xf32>
    %slice3A_496 = vector.extract_strided_slice %dot_general3A_440 {offsets = [0, 512], sizes = [1024, 128], strides = [1, 1]} : vector<1024x2048xf32> to vector<1024x128xf32>
    %sub3A_497 = arith.subf %add3A_495, %slice3A_496 : vector<1024x128xf32>
    %lt3A_498 = arith.cmpf olt, %sub3A_497, %select_n3A_486 : vector<1024x128xf32>
    %select_n3A_499 = arith.select %lt3A_498, %sub3A_497, %select_n3A_486 : vector<1024x128xi1>, vector<1024x128xf32>
    %jit3A_500 = arith.constant 4.000000e+00 : f32
    %broadcast_in_dim3A_501 = vector.broadcast %jit3A_500 : f32 to vector<1024x128xf32>
    %select_n3A_502 = arith.select %lt3A_498, %broadcast_in_dim3A_501, %select_n3A_489 : vector<1024x128xi1>, vector<1024x128xf32>
    %get3A_503 = arith.constant 0 : index
    %get3A_504 = arith.constant 4736 : index
    %get3A_505 = vector.load %arg4[%get3A_503, %get3A_504] : memref<1x8192xf32, #tpu.memory_space<vmem>>, vector<1x128xf32>
    %add3A_506 = vector.broadcast %get3A_4 : vector<1024x1xf32> to vector<1024x128xf32>
    %add3A_507 = vector.broadcast %get3A_505 : vector<1x128xf32> to vector<1024x128xf32>
    %add3A_508 = arith.addf %add3A_506, %add3A_507 : vector<1024x128xf32>
    %slice3A_509 = vector.extract_strided_slice %dot_general3A_440 {offsets = [0, 640], sizes = [1024, 128], strides = [1, 1]} : vector<1024x2048xf32> to vector<1024x128xf32>
    %sub3A_510 = arith.subf %add3A_508, %slice3A_509 : vector<1024x128xf32>
    %lt3A_511 = arith.cmpf olt, %sub3A_510, %select_n3A_499 : vector<1024x128xf32>
    %select_n3A_512 = arith.select %lt3A_511, %sub3A_510, %select_n3A_499 : vector<1024x128xi1>, vector<1024x128xf32>
    %jit3A_513 = arith.constant 5.000000e+00 : f32
    %broadcast_in_dim3A_514 = vector.broadcast %jit3A_513 : f32 to vector<1024x128xf32>
    %select_n3A_515 = arith.select %lt3A_511, %broadcast_in_dim3A_514, %select_n3A_502 : vector<1024x128xi1>, vector<1024x128xf32>
    %get3A_516 = arith.constant 0 : index
    %get3A_517 = arith.constant 4864 : index
    %get3A_518 = vector.load %arg4[%get3A_516, %get3A_517] : memref<1x8192xf32, #tpu.memory_space<vmem>>, vector<1x128xf32>
    %add3A_519 = vector.broadcast %get3A_4 : vector<1024x1xf32> to vector<1024x128xf32>
    %add3A_520 = vector.broadcast %get3A_518 : vector<1x128xf32> to vector<1024x128xf32>
    %add3A_521 = arith.addf %add3A_519, %add3A_520 : vector<1024x128xf32>
    %slice3A_522 = vector.extract_strided_slice %dot_general3A_440 {offsets = [0, 768], sizes = [1024, 128], strides = [1, 1]} : vector<1024x2048xf32> to vector<1024x128xf32>
    %sub3A_523 = arith.subf %add3A_521, %slice3A_522 : vector<1024x128xf32>
    %lt3A_524 = arith.cmpf olt, %sub3A_523, %select_n3A_512 : vector<1024x128xf32>
    %select_n3A_525 = arith.select %lt3A_524, %sub3A_523, %select_n3A_512 : vector<1024x128xi1>, vector<1024x128xf32>
    %jit3A_526 = arith.constant 6.000000e+00 : f32
    %broadcast_in_dim3A_527 = vector.broadcast %jit3A_526 : f32 to vector<1024x128xf32>
    %select_n3A_528 = arith.select %lt3A_524, %broadcast_in_dim3A_527, %select_n3A_515 : vector<1024x128xi1>, vector<1024x128xf32>
    %get3A_529 = arith.constant 0 : index
    %get3A_530 = arith.constant 4992 : index
    %get3A_531 = vector.load %arg4[%get3A_529, %get3A_530] : memref<1x8192xf32, #tpu.memory_space<vmem>>, vector<1x128xf32>
    %add3A_532 = vector.broadcast %get3A_4 : vector<1024x1xf32> to vector<1024x128xf32>
    %add3A_533 = vector.broadcast %get3A_531 : vector<1x128xf32> to vector<1024x128xf32>
    %add3A_534 = arith.addf %add3A_532, %add3A_533 : vector<1024x128xf32>
    %slice3A_535 = vector.extract_strided_slice %dot_general3A_440 {offsets = [0, 896], sizes = [1024, 128], strides = [1, 1]} : vector<1024x2048xf32> to vector<1024x128xf32>
    %sub3A_536 = arith.subf %add3A_534, %slice3A_535 : vector<1024x128xf32>
    %lt3A_537 = arith.cmpf olt, %sub3A_536, %select_n3A_525 : vector<1024x128xf32>
    %select_n3A_538 = arith.select %lt3A_537, %sub3A_536, %select_n3A_525 : vector<1024x128xi1>, vector<1024x128xf32>
    %jit3A_539 = arith.constant 7.000000e+00 : f32
    %broadcast_in_dim3A_540 = vector.broadcast %jit3A_539 : f32 to vector<1024x128xf32>
    %select_n3A_541 = arith.select %lt3A_537, %broadcast_in_dim3A_540, %select_n3A_528 : vector<1024x128xi1>, vector<1024x128xf32>
    %get3A_542 = arith.constant 0 : index
    %get3A_543 = arith.constant 5120 : index
    %get3A_544 = vector.load %arg4[%get3A_542, %get3A_543] : memref<1x8192xf32, #tpu.memory_space<vmem>>, vector<1x128xf32>
    %add3A_545 = vector.broadcast %get3A_4 : vector<1024x1xf32> to vector<1024x128xf32>
    %add3A_546 = vector.broadcast %get3A_544 : vector<1x128xf32> to vector<1024x128xf32>
    %add3A_547 = arith.addf %add3A_545, %add3A_546 : vector<1024x128xf32>
    %slice3A_548 = vector.extract_strided_slice %dot_general3A_440 {offsets = [0, 1024], sizes = [1024, 128], strides = [1, 1]} : vector<1024x2048xf32> to vector<1024x128xf32>
    %sub3A_549 = arith.subf %add3A_547, %slice3A_548 : vector<1024x128xf32>
    %lt3A_550 = arith.cmpf olt, %sub3A_549, %select_n3A_538 : vector<1024x128xf32>
    %select_n3A_551 = arith.select %lt3A_550, %sub3A_549, %select_n3A_538 : vector<1024x128xi1>, vector<1024x128xf32>
    %jit3A_552 = arith.constant 8.000000e+00 : f32
    %broadcast_in_dim3A_553 = vector.broadcast %jit3A_552 : f32 to vector<1024x128xf32>
    %select_n3A_554 = arith.select %lt3A_550, %broadcast_in_dim3A_553, %select_n3A_541 : vector<1024x128xi1>, vector<1024x128xf32>
    %get3A_555 = arith.constant 0 : index
    %get3A_556 = arith.constant 5248 : index
    %get3A_557 = vector.load %arg4[%get3A_555, %get3A_556] : memref<1x8192xf32, #tpu.memory_space<vmem>>, vector<1x128xf32>
    %add3A_558 = vector.broadcast %get3A_4 : vector<1024x1xf32> to vector<1024x128xf32>
    %add3A_559 = vector.broadcast %get3A_557 : vector<1x128xf32> to vector<1024x128xf32>
    %add3A_560 = arith.addf %add3A_558, %add3A_559 : vector<1024x128xf32>
    %slice3A_561 = vector.extract_strided_slice %dot_general3A_440 {offsets = [0, 1152], sizes = [1024, 128], strides = [1, 1]} : vector<1024x2048xf32> to vector<1024x128xf32>
    %sub3A_562 = arith.subf %add3A_560, %slice3A_561 : vector<1024x128xf32>
    %lt3A_563 = arith.cmpf olt, %sub3A_562, %select_n3A_551 : vector<1024x128xf32>
    %select_n3A_564 = arith.select %lt3A_563, %sub3A_562, %select_n3A_551 : vector<1024x128xi1>, vector<1024x128xf32>
    %jit3A_565 = arith.constant 9.000000e+00 : f32
    %broadcast_in_dim3A_566 = vector.broadcast %jit3A_565 : f32 to vector<1024x128xf32>
    %select_n3A_567 = arith.select %lt3A_563, %broadcast_in_dim3A_566, %select_n3A_554 : vector<1024x128xi1>, vector<1024x128xf32>
    %get3A_568 = arith.constant 0 : index
    %get3A_569 = arith.constant 5376 : index
    %get3A_570 = vector.load %arg4[%get3A_568, %get3A_569] : memref<1x8192xf32, #tpu.memory_space<vmem>>, vector<1x128xf32>
    %add3A_571 = vector.broadcast %get3A_4 : vector<1024x1xf32> to vector<1024x128xf32>
    %add3A_572 = vector.broadcast %get3A_570 : vector<1x128xf32> to vector<1024x128xf32>
    %add3A_573 = arith.addf %add3A_571, %add3A_572 : vector<1024x128xf32>
    %slice3A_574 = vector.extract_strided_slice %dot_general3A_440 {offsets = [0, 1280], sizes = [1024, 128], strides = [1, 1]} : vector<1024x2048xf32> to vector<1024x128xf32>
    %sub3A_575 = arith.subf %add3A_573, %slice3A_574 : vector<1024x128xf32>
    %lt3A_576 = arith.cmpf olt, %sub3A_575, %select_n3A_564 : vector<1024x128xf32>
    %select_n3A_577 = arith.select %lt3A_576, %sub3A_575, %select_n3A_564 : vector<1024x128xi1>, vector<1024x128xf32>
    %jit3A_578 = arith.constant 1.000000e+01 : f32
    %broadcast_in_dim3A_579 = vector.broadcast %jit3A_578 : f32 to vector<1024x128xf32>
    %select_n3A_580 = arith.select %lt3A_576, %broadcast_in_dim3A_579, %select_n3A_567 : vector<1024x128xi1>, vector<1024x128xf32>
    %get3A_581 = arith.constant 0 : index
    %get3A_582 = arith.constant 5504 : index
    %get3A_583 = vector.load %arg4[%get3A_581, %get3A_582] : memref<1x8192xf32, #tpu.memory_space<vmem>>, vector<1x128xf32>
    %add3A_584 = vector.broadcast %get3A_4 : vector<1024x1xf32> to vector<1024x128xf32>
    %add3A_585 = vector.broadcast %get3A_583 : vector<1x128xf32> to vector<1024x128xf32>
    %add3A_586 = arith.addf %add3A_584, %add3A_585 : vector<1024x128xf32>
    %slice3A_587 = vector.extract_strided_slice %dot_general3A_440 {offsets = [0, 1408], sizes = [1024, 128], strides = [1, 1]} : vector<1024x2048xf32> to vector<1024x128xf32>
    %sub3A_588 = arith.subf %add3A_586, %slice3A_587 : vector<1024x128xf32>
    %lt3A_589 = arith.cmpf olt, %sub3A_588, %select_n3A_577 : vector<1024x128xf32>
    %select_n3A_590 = arith.select %lt3A_589, %sub3A_588, %select_n3A_577 : vector<1024x128xi1>, vector<1024x128xf32>
    %jit3A_591 = arith.constant 1.100000e+01 : f32
    %broadcast_in_dim3A_592 = vector.broadcast %jit3A_591 : f32 to vector<1024x128xf32>
    %select_n3A_593 = arith.select %lt3A_589, %broadcast_in_dim3A_592, %select_n3A_580 : vector<1024x128xi1>, vector<1024x128xf32>
    %get3A_594 = arith.constant 0 : index
    %get3A_595 = arith.constant 5632 : index
    %get3A_596 = vector.load %arg4[%get3A_594, %get3A_595] : memref<1x8192xf32, #tpu.memory_space<vmem>>, vector<1x128xf32>
    %add3A_597 = vector.broadcast %get3A_4 : vector<1024x1xf32> to vector<1024x128xf32>
    %add3A_598 = vector.broadcast %get3A_596 : vector<1x128xf32> to vector<1024x128xf32>
    %add3A_599 = arith.addf %add3A_597, %add3A_598 : vector<1024x128xf32>
    %slice3A_600 = vector.extract_strided_slice %dot_general3A_440 {offsets = [0, 1536], sizes = [1024, 128], strides = [1, 1]} : vector<1024x2048xf32> to vector<1024x128xf32>
    %sub3A_601 = arith.subf %add3A_599, %slice3A_600 : vector<1024x128xf32>
    %lt3A_602 = arith.cmpf olt, %sub3A_601, %select_n3A_590 : vector<1024x128xf32>
    %select_n3A_603 = arith.select %lt3A_602, %sub3A_601, %select_n3A_590 : vector<1024x128xi1>, vector<1024x128xf32>
    %jit3A_604 = arith.constant 1.200000e+01 : f32
    %broadcast_in_dim3A_605 = vector.broadcast %jit3A_604 : f32 to vector<1024x128xf32>
    %select_n3A_606 = arith.select %lt3A_602, %broadcast_in_dim3A_605, %select_n3A_593 : vector<1024x128xi1>, vector<1024x128xf32>
    %get3A_607 = arith.constant 0 : index
    %get3A_608 = arith.constant 5760 : index
    %get3A_609 = vector.load %arg4[%get3A_607, %get3A_608] : memref<1x8192xf32, #tpu.memory_space<vmem>>, vector<1x128xf32>
    %add3A_610 = vector.broadcast %get3A_4 : vector<1024x1xf32> to vector<1024x128xf32>
    %add3A_611 = vector.broadcast %get3A_609 : vector<1x128xf32> to vector<1024x128xf32>
    %add3A_612 = arith.addf %add3A_610, %add3A_611 : vector<1024x128xf32>
    %slice3A_613 = vector.extract_strided_slice %dot_general3A_440 {offsets = [0, 1664], sizes = [1024, 128], strides = [1, 1]} : vector<1024x2048xf32> to vector<1024x128xf32>
    %sub3A_614 = arith.subf %add3A_612, %slice3A_613 : vector<1024x128xf32>
    %lt3A_615 = arith.cmpf olt, %sub3A_614, %select_n3A_603 : vector<1024x128xf32>
    %select_n3A_616 = arith.select %lt3A_615, %sub3A_614, %select_n3A_603 : vector<1024x128xi1>, vector<1024x128xf32>
    %jit3A_617 = arith.constant 1.300000e+01 : f32
    %broadcast_in_dim3A_618 = vector.broadcast %jit3A_617 : f32 to vector<1024x128xf32>
    %select_n3A_619 = arith.select %lt3A_615, %broadcast_in_dim3A_618, %select_n3A_606 : vector<1024x128xi1>, vector<1024x128xf32>
    %get3A_620 = arith.constant 0 : index
    %get3A_621 = arith.constant 5888 : index
    %get3A_622 = vector.load %arg4[%get3A_620, %get3A_621] : memref<1x8192xf32, #tpu.memory_space<vmem>>, vector<1x128xf32>
    %add3A_623 = vector.broadcast %get3A_4 : vector<1024x1xf32> to vector<1024x128xf32>
    %add3A_624 = vector.broadcast %get3A_622 : vector<1x128xf32> to vector<1024x128xf32>
    %add3A_625 = arith.addf %add3A_623, %add3A_624 : vector<1024x128xf32>
    %slice3A_626 = vector.extract_strided_slice %dot_general3A_440 {offsets = [0, 1792], sizes = [1024, 128], strides = [1, 1]} : vector<1024x2048xf32> to vector<1024x128xf32>
    %sub3A_627 = arith.subf %add3A_625, %slice3A_626 : vector<1024x128xf32>
    %lt3A_628 = arith.cmpf olt, %sub3A_627, %select_n3A_616 : vector<1024x128xf32>
    %select_n3A_629 = arith.select %lt3A_628, %sub3A_627, %select_n3A_616 : vector<1024x128xi1>, vector<1024x128xf32>
    %jit3A_630 = arith.constant 1.400000e+01 : f32
    %broadcast_in_dim3A_631 = vector.broadcast %jit3A_630 : f32 to vector<1024x128xf32>
    %select_n3A_632 = arith.select %lt3A_628, %broadcast_in_dim3A_631, %select_n3A_619 : vector<1024x128xi1>, vector<1024x128xf32>
    %get3A_633 = arith.constant 0 : index
    %get3A_634 = arith.constant 6016 : index
    %get3A_635 = vector.load %arg4[%get3A_633, %get3A_634] : memref<1x8192xf32, #tpu.memory_space<vmem>>, vector<1x128xf32>
    %add3A_636 = vector.broadcast %get3A_4 : vector<1024x1xf32> to vector<1024x128xf32>
    %add3A_637 = vector.broadcast %get3A_635 : vector<1x128xf32> to vector<1024x128xf32>
    %add3A_638 = arith.addf %add3A_636, %add3A_637 : vector<1024x128xf32>
    %slice3A_639 = vector.extract_strided_slice %dot_general3A_440 {offsets = [0, 1920], sizes = [1024, 128], strides = [1, 1]} : vector<1024x2048xf32> to vector<1024x128xf32>
    %sub3A_640 = arith.subf %add3A_638, %slice3A_639 : vector<1024x128xf32>
    %lt3A_641 = arith.cmpf olt, %sub3A_640, %select_n3A_629 : vector<1024x128xf32>
    %select_n3A_642 = arith.select %lt3A_641, %sub3A_640, %select_n3A_629 : vector<1024x128xi1>, vector<1024x128xf32>
    %jit3A_643 = arith.constant 1.500000e+01 : f32
    %broadcast_in_dim3A_644 = vector.broadcast %jit3A_643 : f32 to vector<1024x128xf32>
    %select_n3A_645 = arith.select %lt3A_641, %broadcast_in_dim3A_644, %select_n3A_632 : vector<1024x128xi1>, vector<1024x128xf32>
    %get3A_646 = arith.constant 6144 : index
    %get3A_647 = arith.constant 0 : index
    %get3A_648 = vector.load %arg2[%get3A_646, %get3A_647] : memref<8192x32xf32, #tpu.memory_space<vmem>>, vector<2048x32xf32>
    %dot_general3A_649 = arith.constant dense<0.000000e+00> : vector<1024x2048xf32>
    %dot_general3A_650 = tpu.matmul %add3A, %get3A_648, %dot_general3A_649 {dimension_numbers = #tpu.dot_dimension_numbers<[1], [1], [0], [0], [0, 0, 1, 0], [], []>, transpose_lhs_hint = false} : vector<1024x32xf32>, vector<2048x32xf32>, vector<1024x2048xf32> -> vector<1024x2048xf32>
    %get3A_651 = arith.constant 0 : index
    %get3A_652 = arith.constant 6144 : index
    %get3A_653 = vector.load %arg4[%get3A_651, %get3A_652] : memref<1x8192xf32, #tpu.memory_space<vmem>>, vector<1x128xf32>
    %add3A_654 = vector.broadcast %get3A_4 : vector<1024x1xf32> to vector<1024x128xf32>
    %add3A_655 = vector.broadcast %get3A_653 : vector<1x128xf32> to vector<1024x128xf32>
    %add3A_656 = arith.addf %add3A_654, %add3A_655 : vector<1024x128xf32>
    %slice3A_657 = vector.extract_strided_slice %dot_general3A_650 {offsets = [0, 0], sizes = [1024, 128], strides = [1, 1]} : vector<1024x2048xf32> to vector<1024x128xf32>
    %sub3A_658 = arith.subf %add3A_656, %slice3A_657 : vector<1024x128xf32>
    %lt3A_659 = arith.cmpf olt, %sub3A_658, %select_n3A_642 : vector<1024x128xf32>
    %select_n3A_660 = arith.select %lt3A_659, %sub3A_658, %select_n3A_642 : vector<1024x128xi1>, vector<1024x128xf32>
    %jit3A_661 = arith.constant 1.600000e+01 : f32
    %broadcast_in_dim3A_662 = vector.broadcast %jit3A_661 : f32 to vector<1024x128xf32>
    %select_n3A_663 = arith.select %lt3A_659, %broadcast_in_dim3A_662, %select_n3A_645 : vector<1024x128xi1>, vector<1024x128xf32>
    %get3A_664 = arith.constant 0 : index
    %get3A_665 = arith.constant 6272 : index
    %get3A_666 = vector.load %arg4[%get3A_664, %get3A_665] : memref<1x8192xf32, #tpu.memory_space<vmem>>, vector<1x128xf32>
    %add3A_667 = vector.broadcast %get3A_4 : vector<1024x1xf32> to vector<1024x128xf32>
    %add3A_668 = vector.broadcast %get3A_666 : vector<1x128xf32> to vector<1024x128xf32>
    %add3A_669 = arith.addf %add3A_667, %add3A_668 : vector<1024x128xf32>
    %slice3A_670 = vector.extract_strided_slice %dot_general3A_650 {offsets = [0, 128], sizes = [1024, 128], strides = [1, 1]} : vector<1024x2048xf32> to vector<1024x128xf32>
    %sub3A_671 = arith.subf %add3A_669, %slice3A_670 : vector<1024x128xf32>
    %lt3A_672 = arith.cmpf olt, %sub3A_671, %select_n3A_660 : vector<1024x128xf32>
    %select_n3A_673 = arith.select %lt3A_672, %sub3A_671, %select_n3A_660 : vector<1024x128xi1>, vector<1024x128xf32>
    %jit3A_674 = arith.constant 1.700000e+01 : f32
    %broadcast_in_dim3A_675 = vector.broadcast %jit3A_674 : f32 to vector<1024x128xf32>
    %select_n3A_676 = arith.select %lt3A_672, %broadcast_in_dim3A_675, %select_n3A_663 : vector<1024x128xi1>, vector<1024x128xf32>
    %get3A_677 = arith.constant 0 : index
    %get3A_678 = arith.constant 6400 : index
    %get3A_679 = vector.load %arg4[%get3A_677, %get3A_678] : memref<1x8192xf32, #tpu.memory_space<vmem>>, vector<1x128xf32>
    %add3A_680 = vector.broadcast %get3A_4 : vector<1024x1xf32> to vector<1024x128xf32>
    %add3A_681 = vector.broadcast %get3A_679 : vector<1x128xf32> to vector<1024x128xf32>
    %add3A_682 = arith.addf %add3A_680, %add3A_681 : vector<1024x128xf32>
    %slice3A_683 = vector.extract_strided_slice %dot_general3A_650 {offsets = [0, 256], sizes = [1024, 128], strides = [1, 1]} : vector<1024x2048xf32> to vector<1024x128xf32>
    %sub3A_684 = arith.subf %add3A_682, %slice3A_683 : vector<1024x128xf32>
    %lt3A_685 = arith.cmpf olt, %sub3A_684, %select_n3A_673 : vector<1024x128xf32>
    %select_n3A_686 = arith.select %lt3A_685, %sub3A_684, %select_n3A_673 : vector<1024x128xi1>, vector<1024x128xf32>
    %jit3A_687 = arith.constant 1.800000e+01 : f32
    %broadcast_in_dim3A_688 = vector.broadcast %jit3A_687 : f32 to vector<1024x128xf32>
    %select_n3A_689 = arith.select %lt3A_685, %broadcast_in_dim3A_688, %select_n3A_676 : vector<1024x128xi1>, vector<1024x128xf32>
    %get3A_690 = arith.constant 0 : index
    %get3A_691 = arith.constant 6528 : index
    %get3A_692 = vector.load %arg4[%get3A_690, %get3A_691] : memref<1x8192xf32, #tpu.memory_space<vmem>>, vector<1x128xf32>
    %add3A_693 = vector.broadcast %get3A_4 : vector<1024x1xf32> to vector<1024x128xf32>
    %add3A_694 = vector.broadcast %get3A_692 : vector<1x128xf32> to vector<1024x128xf32>
    %add3A_695 = arith.addf %add3A_693, %add3A_694 : vector<1024x128xf32>
    %slice3A_696 = vector.extract_strided_slice %dot_general3A_650 {offsets = [0, 384], sizes = [1024, 128], strides = [1, 1]} : vector<1024x2048xf32> to vector<1024x128xf32>
    %sub3A_697 = arith.subf %add3A_695, %slice3A_696 : vector<1024x128xf32>
    %lt3A_698 = arith.cmpf olt, %sub3A_697, %select_n3A_686 : vector<1024x128xf32>
    %select_n3A_699 = arith.select %lt3A_698, %sub3A_697, %select_n3A_686 : vector<1024x128xi1>, vector<1024x128xf32>
    %jit3A_700 = arith.constant 1.900000e+01 : f32
    %broadcast_in_dim3A_701 = vector.broadcast %jit3A_700 : f32 to vector<1024x128xf32>
    %select_n3A_702 = arith.select %lt3A_698, %broadcast_in_dim3A_701, %select_n3A_689 : vector<1024x128xi1>, vector<1024x128xf32>
    %get3A_703 = arith.constant 0 : index
    %get3A_704 = arith.constant 6656 : index
    %get3A_705 = vector.load %arg4[%get3A_703, %get3A_704] : memref<1x8192xf32, #tpu.memory_space<vmem>>, vector<1x128xf32>
    %add3A_706 = vector.broadcast %get3A_4 : vector<1024x1xf32> to vector<1024x128xf32>
    %add3A_707 = vector.broadcast %get3A_705 : vector<1x128xf32> to vector<1024x128xf32>
    %add3A_708 = arith.addf %add3A_706, %add3A_707 : vector<1024x128xf32>
    %slice3A_709 = vector.extract_strided_slice %dot_general3A_650 {offsets = [0, 512], sizes = [1024, 128], strides = [1, 1]} : vector<1024x2048xf32> to vector<1024x128xf32>
    %sub3A_710 = arith.subf %add3A_708, %slice3A_709 : vector<1024x128xf32>
    %lt3A_711 = arith.cmpf olt, %sub3A_710, %select_n3A_699 : vector<1024x128xf32>
    %select_n3A_712 = arith.select %lt3A_711, %sub3A_710, %select_n3A_699 : vector<1024x128xi1>, vector<1024x128xf32>
    %jit3A_713 = arith.constant 2.000000e+01 : f32
    %broadcast_in_dim3A_714 = vector.broadcast %jit3A_713 : f32 to vector<1024x128xf32>
    %select_n3A_715 = arith.select %lt3A_711, %broadcast_in_dim3A_714, %select_n3A_702 : vector<1024x128xi1>, vector<1024x128xf32>
    %get3A_716 = arith.constant 0 : index
    %get3A_717 = arith.constant 6784 : index
    %get3A_718 = vector.load %arg4[%get3A_716, %get3A_717] : memref<1x8192xf32, #tpu.memory_space<vmem>>, vector<1x128xf32>
    %add3A_719 = vector.broadcast %get3A_4 : vector<1024x1xf32> to vector<1024x128xf32>
    %add3A_720 = vector.broadcast %get3A_718 : vector<1x128xf32> to vector<1024x128xf32>
    %add3A_721 = arith.addf %add3A_719, %add3A_720 : vector<1024x128xf32>
    %slice3A_722 = vector.extract_strided_slice %dot_general3A_650 {offsets = [0, 640], sizes = [1024, 128], strides = [1, 1]} : vector<1024x2048xf32> to vector<1024x128xf32>
    %sub3A_723 = arith.subf %add3A_721, %slice3A_722 : vector<1024x128xf32>
    %lt3A_724 = arith.cmpf olt, %sub3A_723, %select_n3A_712 : vector<1024x128xf32>
    %select_n3A_725 = arith.select %lt3A_724, %sub3A_723, %select_n3A_712 : vector<1024x128xi1>, vector<1024x128xf32>
    %jit3A_726 = arith.constant 2.100000e+01 : f32
    %broadcast_in_dim3A_727 = vector.broadcast %jit3A_726 : f32 to vector<1024x128xf32>
    %select_n3A_728 = arith.select %lt3A_724, %broadcast_in_dim3A_727, %select_n3A_715 : vector<1024x128xi1>, vector<1024x128xf32>
    %get3A_729 = arith.constant 0 : index
    %get3A_730 = arith.constant 6912 : index
    %get3A_731 = vector.load %arg4[%get3A_729, %get3A_730] : memref<1x8192xf32, #tpu.memory_space<vmem>>, vector<1x128xf32>
    %add3A_732 = vector.broadcast %get3A_4 : vector<1024x1xf32> to vector<1024x128xf32>
    %add3A_733 = vector.broadcast %get3A_731 : vector<1x128xf32> to vector<1024x128xf32>
    %add3A_734 = arith.addf %add3A_732, %add3A_733 : vector<1024x128xf32>
    %slice3A_735 = vector.extract_strided_slice %dot_general3A_650 {offsets = [0, 768], sizes = [1024, 128], strides = [1, 1]} : vector<1024x2048xf32> to vector<1024x128xf32>
    %sub3A_736 = arith.subf %add3A_734, %slice3A_735 : vector<1024x128xf32>
    %lt3A_737 = arith.cmpf olt, %sub3A_736, %select_n3A_725 : vector<1024x128xf32>
    %select_n3A_738 = arith.select %lt3A_737, %sub3A_736, %select_n3A_725 : vector<1024x128xi1>, vector<1024x128xf32>
    %jit3A_739 = arith.constant 2.200000e+01 : f32
    %broadcast_in_dim3A_740 = vector.broadcast %jit3A_739 : f32 to vector<1024x128xf32>
    %select_n3A_741 = arith.select %lt3A_737, %broadcast_in_dim3A_740, %select_n3A_728 : vector<1024x128xi1>, vector<1024x128xf32>
    %get3A_742 = arith.constant 0 : index
    %get3A_743 = arith.constant 7040 : index
    %get3A_744 = vector.load %arg4[%get3A_742, %get3A_743] : memref<1x8192xf32, #tpu.memory_space<vmem>>, vector<1x128xf32>
    %add3A_745 = vector.broadcast %get3A_4 : vector<1024x1xf32> to vector<1024x128xf32>
    %add3A_746 = vector.broadcast %get3A_744 : vector<1x128xf32> to vector<1024x128xf32>
    %add3A_747 = arith.addf %add3A_745, %add3A_746 : vector<1024x128xf32>
    %slice3A_748 = vector.extract_strided_slice %dot_general3A_650 {offsets = [0, 896], sizes = [1024, 128], strides = [1, 1]} : vector<1024x2048xf32> to vector<1024x128xf32>
    %sub3A_749 = arith.subf %add3A_747, %slice3A_748 : vector<1024x128xf32>
    %lt3A_750 = arith.cmpf olt, %sub3A_749, %select_n3A_738 : vector<1024x128xf32>
    %select_n3A_751 = arith.select %lt3A_750, %sub3A_749, %select_n3A_738 : vector<1024x128xi1>, vector<1024x128xf32>
    %jit3A_752 = arith.constant 2.300000e+01 : f32
    %broadcast_in_dim3A_753 = vector.broadcast %jit3A_752 : f32 to vector<1024x128xf32>
    %select_n3A_754 = arith.select %lt3A_750, %broadcast_in_dim3A_753, %select_n3A_741 : vector<1024x128xi1>, vector<1024x128xf32>
    %get3A_755 = arith.constant 0 : index
    %get3A_756 = arith.constant 7168 : index
    %get3A_757 = vector.load %arg4[%get3A_755, %get3A_756] : memref<1x8192xf32, #tpu.memory_space<vmem>>, vector<1x128xf32>
    %add3A_758 = vector.broadcast %get3A_4 : vector<1024x1xf32> to vector<1024x128xf32>
    %add3A_759 = vector.broadcast %get3A_757 : vector<1x128xf32> to vector<1024x128xf32>
    %add3A_760 = arith.addf %add3A_758, %add3A_759 : vector<1024x128xf32>
    %slice3A_761 = vector.extract_strided_slice %dot_general3A_650 {offsets = [0, 1024], sizes = [1024, 128], strides = [1, 1]} : vector<1024x2048xf32> to vector<1024x128xf32>
    %sub3A_762 = arith.subf %add3A_760, %slice3A_761 : vector<1024x128xf32>
    %lt3A_763 = arith.cmpf olt, %sub3A_762, %select_n3A_751 : vector<1024x128xf32>
    %select_n3A_764 = arith.select %lt3A_763, %sub3A_762, %select_n3A_751 : vector<1024x128xi1>, vector<1024x128xf32>
    %jit3A_765 = arith.constant 2.400000e+01 : f32
    %broadcast_in_dim3A_766 = vector.broadcast %jit3A_765 : f32 to vector<1024x128xf32>
    %select_n3A_767 = arith.select %lt3A_763, %broadcast_in_dim3A_766, %select_n3A_754 : vector<1024x128xi1>, vector<1024x128xf32>
    %get3A_768 = arith.constant 0 : index
    %get3A_769 = arith.constant 7296 : index
    %get3A_770 = vector.load %arg4[%get3A_768, %get3A_769] : memref<1x8192xf32, #tpu.memory_space<vmem>>, vector<1x128xf32>
    %add3A_771 = vector.broadcast %get3A_4 : vector<1024x1xf32> to vector<1024x128xf32>
    %add3A_772 = vector.broadcast %get3A_770 : vector<1x128xf32> to vector<1024x128xf32>
    %add3A_773 = arith.addf %add3A_771, %add3A_772 : vector<1024x128xf32>
    %slice3A_774 = vector.extract_strided_slice %dot_general3A_650 {offsets = [0, 1152], sizes = [1024, 128], strides = [1, 1]} : vector<1024x2048xf32> to vector<1024x128xf32>
    %sub3A_775 = arith.subf %add3A_773, %slice3A_774 : vector<1024x128xf32>
    %lt3A_776 = arith.cmpf olt, %sub3A_775, %select_n3A_764 : vector<1024x128xf32>
    %select_n3A_777 = arith.select %lt3A_776, %sub3A_775, %select_n3A_764 : vector<1024x128xi1>, vector<1024x128xf32>
    %jit3A_778 = arith.constant 2.500000e+01 : f32
    %broadcast_in_dim3A_779 = vector.broadcast %jit3A_778 : f32 to vector<1024x128xf32>
    %select_n3A_780 = arith.select %lt3A_776, %broadcast_in_dim3A_779, %select_n3A_767 : vector<1024x128xi1>, vector<1024x128xf32>
    %get3A_781 = arith.constant 0 : index
    %get3A_782 = arith.constant 7424 : index
    %get3A_783 = vector.load %arg4[%get3A_781, %get3A_782] : memref<1x8192xf32, #tpu.memory_space<vmem>>, vector<1x128xf32>
    %add3A_784 = vector.broadcast %get3A_4 : vector<1024x1xf32> to vector<1024x128xf32>
    %add3A_785 = vector.broadcast %get3A_783 : vector<1x128xf32> to vector<1024x128xf32>
    %add3A_786 = arith.addf %add3A_784, %add3A_785 : vector<1024x128xf32>
    %slice3A_787 = vector.extract_strided_slice %dot_general3A_650 {offsets = [0, 1280], sizes = [1024, 128], strides = [1, 1]} : vector<1024x2048xf32> to vector<1024x128xf32>
    %sub3A_788 = arith.subf %add3A_786, %slice3A_787 : vector<1024x128xf32>
    %lt3A_789 = arith.cmpf olt, %sub3A_788, %select_n3A_777 : vector<1024x128xf32>
    %select_n3A_790 = arith.select %lt3A_789, %sub3A_788, %select_n3A_777 : vector<1024x128xi1>, vector<1024x128xf32>
    %jit3A_791 = arith.constant 2.600000e+01 : f32
    %broadcast_in_dim3A_792 = vector.broadcast %jit3A_791 : f32 to vector<1024x128xf32>
    %select_n3A_793 = arith.select %lt3A_789, %broadcast_in_dim3A_792, %select_n3A_780 : vector<1024x128xi1>, vector<1024x128xf32>
    %get3A_794 = arith.constant 0 : index
    %get3A_795 = arith.constant 7552 : index
    %get3A_796 = vector.load %arg4[%get3A_794, %get3A_795] : memref<1x8192xf32, #tpu.memory_space<vmem>>, vector<1x128xf32>
    %add3A_797 = vector.broadcast %get3A_4 : vector<1024x1xf32> to vector<1024x128xf32>
    %add3A_798 = vector.broadcast %get3A_796 : vector<1x128xf32> to vector<1024x128xf32>
    %add3A_799 = arith.addf %add3A_797, %add3A_798 : vector<1024x128xf32>
    %slice3A_800 = vector.extract_strided_slice %dot_general3A_650 {offsets = [0, 1408], sizes = [1024, 128], strides = [1, 1]} : vector<1024x2048xf32> to vector<1024x128xf32>
    %sub3A_801 = arith.subf %add3A_799, %slice3A_800 : vector<1024x128xf32>
    %lt3A_802 = arith.cmpf olt, %sub3A_801, %select_n3A_790 : vector<1024x128xf32>
    %select_n3A_803 = arith.select %lt3A_802, %sub3A_801, %select_n3A_790 : vector<1024x128xi1>, vector<1024x128xf32>
    %jit3A_804 = arith.constant 2.700000e+01 : f32
    %broadcast_in_dim3A_805 = vector.broadcast %jit3A_804 : f32 to vector<1024x128xf32>
    %select_n3A_806 = arith.select %lt3A_802, %broadcast_in_dim3A_805, %select_n3A_793 : vector<1024x128xi1>, vector<1024x128xf32>
    %get3A_807 = arith.constant 0 : index
    %get3A_808 = arith.constant 7680 : index
    %get3A_809 = vector.load %arg4[%get3A_807, %get3A_808] : memref<1x8192xf32, #tpu.memory_space<vmem>>, vector<1x128xf32>
    %add3A_810 = vector.broadcast %get3A_4 : vector<1024x1xf32> to vector<1024x128xf32>
    %add3A_811 = vector.broadcast %get3A_809 : vector<1x128xf32> to vector<1024x128xf32>
    %add3A_812 = arith.addf %add3A_810, %add3A_811 : vector<1024x128xf32>
    %slice3A_813 = vector.extract_strided_slice %dot_general3A_650 {offsets = [0, 1536], sizes = [1024, 128], strides = [1, 1]} : vector<1024x2048xf32> to vector<1024x128xf32>
    %sub3A_814 = arith.subf %add3A_812, %slice3A_813 : vector<1024x128xf32>
    %lt3A_815 = arith.cmpf olt, %sub3A_814, %select_n3A_803 : vector<1024x128xf32>
    %select_n3A_816 = arith.select %lt3A_815, %sub3A_814, %select_n3A_803 : vector<1024x128xi1>, vector<1024x128xf32>
    %jit3A_817 = arith.constant 2.800000e+01 : f32
    %broadcast_in_dim3A_818 = vector.broadcast %jit3A_817 : f32 to vector<1024x128xf32>
    %select_n3A_819 = arith.select %lt3A_815, %broadcast_in_dim3A_818, %select_n3A_806 : vector<1024x128xi1>, vector<1024x128xf32>
    %get3A_820 = arith.constant 0 : index
    %get3A_821 = arith.constant 7808 : index
    %get3A_822 = vector.load %arg4[%get3A_820, %get3A_821] : memref<1x8192xf32, #tpu.memory_space<vmem>>, vector<1x128xf32>
    %add3A_823 = vector.broadcast %get3A_4 : vector<1024x1xf32> to vector<1024x128xf32>
    %add3A_824 = vector.broadcast %get3A_822 : vector<1x128xf32> to vector<1024x128xf32>
    %add3A_825 = arith.addf %add3A_823, %add3A_824 : vector<1024x128xf32>
    %slice3A_826 = vector.extract_strided_slice %dot_general3A_650 {offsets = [0, 1664], sizes = [1024, 128], strides = [1, 1]} : vector<1024x2048xf32> to vector<1024x128xf32>
    %sub3A_827 = arith.subf %add3A_825, %slice3A_826 : vector<1024x128xf32>
    %lt3A_828 = arith.cmpf olt, %sub3A_827, %select_n3A_816 : vector<1024x128xf32>
    %select_n3A_829 = arith.select %lt3A_828, %sub3A_827, %select_n3A_816 : vector<1024x128xi1>, vector<1024x128xf32>
    %jit3A_830 = arith.constant 2.900000e+01 : f32
    %broadcast_in_dim3A_831 = vector.broadcast %jit3A_830 : f32 to vector<1024x128xf32>
    %select_n3A_832 = arith.select %lt3A_828, %broadcast_in_dim3A_831, %select_n3A_819 : vector<1024x128xi1>, vector<1024x128xf32>
    %get3A_833 = arith.constant 0 : index
    %get3A_834 = arith.constant 7936 : index
    %get3A_835 = vector.load %arg4[%get3A_833, %get3A_834] : memref<1x8192xf32, #tpu.memory_space<vmem>>, vector<1x128xf32>
    %add3A_836 = vector.broadcast %get3A_4 : vector<1024x1xf32> to vector<1024x128xf32>
    %add3A_837 = vector.broadcast %get3A_835 : vector<1x128xf32> to vector<1024x128xf32>
    %add3A_838 = arith.addf %add3A_836, %add3A_837 : vector<1024x128xf32>
    %slice3A_839 = vector.extract_strided_slice %dot_general3A_650 {offsets = [0, 1792], sizes = [1024, 128], strides = [1, 1]} : vector<1024x2048xf32> to vector<1024x128xf32>
    %sub3A_840 = arith.subf %add3A_838, %slice3A_839 : vector<1024x128xf32>
    %lt3A_841 = arith.cmpf olt, %sub3A_840, %select_n3A_829 : vector<1024x128xf32>
    %select_n3A_842 = arith.select %lt3A_841, %sub3A_840, %select_n3A_829 : vector<1024x128xi1>, vector<1024x128xf32>
    %jit3A_843 = arith.constant 3.000000e+01 : f32
    %broadcast_in_dim3A_844 = vector.broadcast %jit3A_843 : f32 to vector<1024x128xf32>
    %select_n3A_845 = arith.select %lt3A_841, %broadcast_in_dim3A_844, %select_n3A_832 : vector<1024x128xi1>, vector<1024x128xf32>
    %get3A_846 = arith.constant 0 : index
    %get3A_847 = arith.constant 8064 : index
    %get3A_848 = vector.load %arg4[%get3A_846, %get3A_847] : memref<1x8192xf32, #tpu.memory_space<vmem>>, vector<1x128xf32>
    %add3A_849 = vector.broadcast %get3A_4 : vector<1024x1xf32> to vector<1024x128xf32>
    %add3A_850 = vector.broadcast %get3A_848 : vector<1x128xf32> to vector<1024x128xf32>
    %add3A_851 = arith.addf %add3A_849, %add3A_850 : vector<1024x128xf32>
    %slice3A_852 = vector.extract_strided_slice %dot_general3A_650 {offsets = [0, 1920], sizes = [1024, 128], strides = [1, 1]} : vector<1024x2048xf32> to vector<1024x128xf32>
    %sub3A_853 = arith.subf %add3A_851, %slice3A_852 : vector<1024x128xf32>
    %lt3A_854 = arith.cmpf olt, %sub3A_853, %select_n3A_842 : vector<1024x128xf32>
    %select_n3A_855 = arith.select %lt3A_854, %sub3A_853, %select_n3A_842 : vector<1024x128xi1>, vector<1024x128xf32>
    %jit3A_856 = arith.constant 3.100000e+01 : f32
    %broadcast_in_dim3A_857 = vector.broadcast %jit3A_856 : f32 to vector<1024x128xf32>
    %select_n3A_858 = arith.select %lt3A_854, %broadcast_in_dim3A_857, %select_n3A_845 : vector<1024x128xi1>, vector<1024x128xf32>
    %reduce_min3A_859 = arith.constant dense<0x7F800000> : vector<1024xf32>
    %reduce_min3A_860 = vector.multi_reduction <minimumf>, %select_n3A_855, %reduce_min3A_859 [1] : vector<1024x128xf32> to vector<1024xf32>
    %broadcast_in_dim3A_861 = vector.shape_cast %reduce_min3A_860 : vector<1024xf32> to vector<1024x1xf32>
    %mul3A_862 = arith.constant 1.280000e+02 : f32
    %mul3A_863 = vector.broadcast %mul3A_862 : f32 to vector<1024x128xf32>
    %mul3A_864 = arith.mulf %select_n3A_858, %mul3A_863 : vector<1024x128xf32>
    %add3A_865 = arith.addf %mul3A_864, %convert_element_type3A : vector<1024x128xf32>
    %eq3A_866 = vector.broadcast %broadcast_in_dim3A_861 : vector<1024x1xf32> to vector<1024x128xf32>
    %eq3A_867 = arith.cmpf oeq, %select_n3A_855, %eq3A_866 : vector<1024x128xf32>
    %jit3A_868 = arith.constant 8.192000e+03 : f32
    %broadcast_in_dim3A_869 = vector.broadcast %jit3A_868 : f32 to vector<1024x128xf32>
    %select_n3A_870 = arith.select %eq3A_867, %add3A_865, %broadcast_in_dim3A_869 : vector<1024x128xi1>, vector<1024x128xf32>
    %reduce_min3A_871 = arith.constant dense<0x7F800000> : vector<1024xf32>
    %reduce_min3A_872 = vector.multi_reduction <minimumf>, %select_n3A_870, %reduce_min3A_871 [1] : vector<1024x128xf32> to vector<1024xf32>
    %broadcast_in_dim3A_873 = vector.shape_cast %reduce_min3A_872 : vector<1024xf32> to vector<1024x1xf32>
    %add3A_874 = arith.constant 4.096000e+03 : f32
    %add3A_875 = vector.broadcast %add3A_874 : f32 to vector<1024x1xf32>
    %add3A_876 = arith.addf %broadcast_in_dim3A_873, %add3A_875 : vector<1024x1xf32>
    %convert_element_type3A_877 = arith.truncf %broadcast_in_dim3A_422 : vector<1024x1xf32> to vector<1024x1xbf16>
    %convert_element_type3A_878 = arith.extf %convert_element_type3A_877 : vector<1024x1xbf16> to vector<1024x1xf32>
    %lt3A_879 = arith.cmpf olt, %broadcast_in_dim3A_861, %convert_element_type3A_878 : vector<1024x1xf32>
    %select_n3A_880 = arith.select %lt3A_879, %add3A_876, %add3A_435 : vector<1024x1xi1>, vector<1024x1xf32>
    %convert_element_type3A_881 = arith.fptosi %select_n3A_880 : vector<1024x1xf32> to vector<1024x1xi32>
    %swap3A = arith.constant 0 : index
    %swap3A_882 = arith.constant 0 : index
    %swap3A_883 = vector.load %arg5[%swap3A, %swap3A_882] : memref<1024x1xi32, #tpu.memory_space<vmem>>, vector<1024x1xi32>
    tpu.vector_store %arg5[%swap3A, %swap3A_882], %convert_element_type3A_881 {strides = array<i32>} : memref<1024x1xi32, #tpu.memory_space<vmem>>, vector<1024x1xi32>,
    %eq3A_884 = arith.constant 0 : i32
    %eq3A_885 = arith.cmpi eq, %arg0, %eq3A_884 : i32
    %convert_element_type3A_886 = arith.extui %eq3A_885 : i1 to i32
    %cond3A = arith.constant 0 : i32
    %cond3A_887 = arith.cmpi ne, %convert_element_type3A_886, %cond3A : i32
    scf.if %cond3A_887 {
      %broadcast_in_dim3A_901 = arith.constant 0.000000e+00 : f32
      %broadcast_in_dim3A_902 = vector.broadcast %broadcast_in_dim3A_901 : f32 to vector<1x1xf32>
      %swap3A_903 = arith.constant 0 : index
      %swap3A_904 = arith.constant 0 : index
      %swap3A_905 = vector.load %arg6[%swap3A_903, %swap3A_904] : memref<1x1xf32, #tpu.memory_space<vmem>>, vector<1x1xf32>
      tpu.vector_store %arg6[%swap3A_903, %swap3A_904], %broadcast_in_dim3A_902 {strides = array<i32>} : memref<1x1xf32, #tpu.memory_space<vmem>>, vector<1x1xf32>,
    } else {
    }
    %get3A_888 = arith.constant 0 : index
    %get3A_889 = arith.constant 0 : index
    %get3A_890 = vector.load %arg6[%get3A_888, %get3A_889] : memref<1x1xf32, #tpu.memory_space<vmem>>, vector<1x1xf32>
    %select_n3A_891 = arith.select %lt3A_879, %broadcast_in_dim3A_861, %broadcast_in_dim3A_422 : vector<1024x1xi1>, vector<1024x1xf32>
    %reduce_sum3A = vector.shape_cast %select_n3A_891 : vector<1024x1xf32> to vector<1x1024x1xf32>
    %reduce_sum3A_892 = arith.constant dense<0.000000e+00> : vector<1xf32>
    %reduce_sum3A_893 = vector.multi_reduction <add>, %reduce_sum3A, %reduce_sum3A_892 [1, 2] : vector<1x1024x1xf32> to vector<1xf32>
    %reduce_sum3A_894 = vector.shape_cast %reduce_sum3A_893 : vector<1xf32> to vector<1x1x1xf32>
    %reduce_sum3A_895 = vector.extract %reduce_sum3A_894[0, 0, 0] : f32 from vector<1x1x1xf32>
    %broadcast_in_dim3A_896 = vector.broadcast %reduce_sum3A_895 : f32 to vector<1x1xf32>
    %add3A_897 = arith.addf %get3A_890, %broadcast_in_dim3A_896 : vector<1x1xf32>
    %swap3A_898 = arith.constant 0 : index
    %swap3A_899 = arith.constant 0 : index
    %swap3A_900 = vector.load %arg6[%swap3A_898, %swap3A_899] : memref<1x1xf32, #tpu.memory_space<vmem>>, vector<1x1xf32>
    tpu.vector_store %arg6[%swap3A_898, %swap3A_899], %add3A_897 {strides = array<i32>} : memref<1x1xf32, #tpu.memory_space<vmem>>, vector<1x1xf32>,
    return
  }
  func.func @transform_0(%arg0: i32) -> (i32, i32) {
    %c0_i32 = arith.constant 0 : i32
    %c0_i32_0 = arith.constant 0 : i32
    return %arg0, %c0_i32 : i32, i32
  }
  func.func @transform_1(%arg0: i32) -> (i32, i32) {
    %c0_i32 = arith.constant 0 : i32
    %c0_i32_0 = arith.constant 0 : i32
    %c0_i32_1 = arith.constant 0 : i32
    return %c0_i32, %c0_i32_0 : i32, i32
  }
  func.func @transform_2(%arg0: i32) -> (i32, i32) {
    %c0_i32 = arith.constant 0 : i32
    %c0_i32_0 = arith.constant 0 : i32
    return %arg0, %c0_i32 : i32, i32
  }
  func.func @transform_3(%arg0: i32) -> (i32, i32) {
    %c0_i32 = arith.constant 0 : i32
    %c0_i32_0 = arith.constant 0 : i32
    %c0_i32_1 = arith.constant 0 : i32
    return %c0_i32, %c0_i32_0 : i32, i32
  }
  func.func @transform_4(%arg0: i32) -> (i32, i32) {
    %c0_i32 = arith.constant 0 : i32
    %c0_i32_0 = arith.constant 0 : i32
    return %arg0, %c0_i32 : i32, i32
  }
  func.func @transform_5(%arg0: i32) -> (i32, i32) {
    %c0_i32 = arith.constant 0 : i32
    %c0_i32_0 = arith.constant 0 : i32
    %c0_i32_1 = arith.constant 0 : i32
    return %c0_i32, %c0_i32_0 : i32, i32
  }
}

</mosaic_0001>

<sc_bundles>
// kernel: kernel.4.cloned.1.call-start
scs
__scs_entry_jumppad:
0x0: {  	(pc) =	sbr.rel $0x88, $3  }
0x1: {  	(tag) =	ssettag $0x0;
	lr =	simm.s32 $0x1  }
0x2: {  	[smem:$0x3F9F] =	sst lr;
	_ =	strace $0xD0000000  }
0x3: {  	_ = 	snop  }
0x4: {  	_ = 	snop  }
0x5: {  	_ = 	snop  }
0x6: {  	_ = 	snop  }
0x7: {  	_ = 	snop  }
__scs_overlays_trampoline_lowered:
0x8: {  	[smem:$0x3FAE] =	sst s0  }
0x9: {  	[smem:$0x3FAF] =	sst s1  }
0xa: {  	[smem:$0x3FB0] =	sst s2  }
0xb: {  	[smem:$0x3FB1] =	sst s3  }
0xc: {  	[smem:$0x3FB2] =	sst s4  }
0xd: {  	[smem:$0x3FB3] =	sst s5  }
0xe: {  	[smem:$0x3FB4] =	sst s6  }
0xf: {  	[smem:$0x3FB5] =	sst s7  }
0x10: {  	[smem:$0x3FB6] =	sst s8  }
0x11: {  	[smem:$0x3FB7] =	sst s9;
	s0 =	simm.s32 @!p0 $0x0  }
0x12: {  	s1 =	sld [smem:$0x3F9D];
	s0 =	simm.s32 @p0 $0x1  }
0x13: {  	[smem:$0x3FB8] =	sst s0;
	s0 =	simm.s32 @!p1 $0x0  }
0x14: {  	s2 =	sld [smem:$0x3F9C];
	s0 =	simm.s32 @p1 $0x1  }
0x15: {  	[smem:$0x3FB9] =	sst s0;
	s0 =	simm.s32 @!p2 $0x0  }
0x16: {  	s3 =	sld [smem:$0x3FDB];
	s0 =	simm.s32 @p2 $0x1  }
0x17: {  	s4 =	simm.s32 $0x1BF5;
	[smem:$0x3FBB] =	sst s0  }
0x18: {  	s0 =	sld [smem:$0x3F9E];
	_ =	swait.ge [sflag:s4], $0x0  }
0x19: {  	s7 =	sld [smem:$0x3F9F]  }
0x1a: {  	s8 =	sadd.s32 $0xFFFFE003, lr  }
0x1b: {  	s9 =	sadd.s32 $0xFFFFFEF7, lr;
	s5 =	simm.s32 $0xFFFFFFFF;
	p2 =	slt.u32 s8, $0xFFFFF086  }
0x1c: {  	p1 =	slt.u32 s9, $0xF7A;
	s5 =	simm.s32 @!p2 $0x0  }
0x1d: {  	s5 =	simm.s32 @p1 $0x1;
	p0 =	seq.s32 s7, s2  }
0x1e: {  	s7 =	smul.u32 @!p0 $0xF7A, s2;
	p2 =	seq.s32 @!p0 s5, $0x0  }
0x1f: {  	s9 =	smul.u32 $0xF7A, s1;
	s8 =	simm.s32 @!p0 $0x1BF5;
	p2 =	por !p2, p0  }
0x20: {  	[sflag:s8] =	ssyncset.s32 @!p0 $0xFFFFF086;
	s6 =	sadd.s32 @!p0 s3, s7;
	s7 =	simm.s32 @!p0 $0x108  }
0x21: {  	s3 =	sadd.s32 s3, s9;
	s6 =	sadd.s32 @!p0 $0x88, s6;
	s7 =	simm.s32 @p2 $0x1082  }
0x22: {  	[simem:s7], [sflag:s8] =	dma.local @!p0 [hbm:s6], $0xF7A  }
0x23: {  	s9 =	sor.u32 $0xD0000000, s2;
	s6 =	simm.s32 $0x108;
	_ =	swait.ge @!p0 [sflag:s8], $0x0  }
0x24: {  	s3 =	sadd.s32 $0x88, s3;
	s6 =	simm.s32 @!p1 $0x1082;
	[sflag:s4] =	ssyncset.s32 $0xFFFFF086  }
0x25: {  	[simem:s6], [sflag:s4] =	dma.local [hbm:s3], $0xF7A  }
0x26: {  	[smem:$0x3F9F] =	sst s1;
	(tag) =	ssettag s2;
	_ =	strace s9  }
0x27: {  	s1 =	sld [smem:$0x3FAF]  }
0x28: {  	s2 =	sld [smem:$0x3FB0]  }
0x29: {  	s4 =	sld [smem:$0x3FB2]  }
0x2a: {  	p0 =	seq.s32 s5, $0x0;
	s5 =	sld [smem:$0x3FB3]  }
0x2b: {  	s6 =	sld [smem:$0x3FB4]  }
0x2c: {  	s7 =	sld [smem:$0x3FB5]  }
0x2d: {  	s3 =	simm.s32 $0x108;
	s8 =	sld [smem:$0x3FB6]  }
0x2e: {  	s3 =	simm.s32 @!p0 $0x1082;
	s9 =	sld [smem:$0x3FB7]  }
0x2f: {  	lr =	sadd.s32 s0, s3;
	s0 =	sld [smem:$0x3FAE]  }
0x30: {  	s3 =	sld [smem:$0x3FB1]  }
0x31: {  	[smem:$0x3FBA] =	sst s10  }
0x32: {  	s10 =	sld [smem:$0x3FB8];
	_ =	sdelay $0x3  }
0x33: {  	p0 =	seq.s32 s10, $0x1;
	s10 =	sld [smem:$0x3FBA];
	_ =	sdelay $0x3  }
0x34: {  	[smem:$0x3FBA] =	sst s10  }
0x35: {  	s10 =	sld [smem:$0x3FB9];
	_ =	sdelay $0x3  }
0x36: {  	p1 =	seq.s32 s10, $0x1;
	s10 =	sld [smem:$0x3FBA];
	_ =	sdelay $0x3  }
0x37: {  	[smem:$0x3FBA] =	sst s10  }
0x38: {  	s10 =	sld [smem:$0x3FBB]  }
0x39: {  	_ = 	snop;
	(pc) =	sbr.ind lr, $3  }
0x3a: {  	_ = 	snop  }
0x3b: {  	_ = 	snop  }
0x3c: {  	p2 =	seq.s32 s10, $0x1;
	s10 =	sld [smem:$0x3FBA]  }
0x3d: {  	_ =	shalt  }
0x3e: {  	_ =	shalt  }
0x3f: {  	_ =	shalt  }
0x40: {  	_ =	shalt  }
0x41: {  	_ =	shalt  }
0x42: {  	_ =	shalt  }
0x43: {  	_ =	shalt  }
0x44: {  	_ =	shalt  }
0x45: {  	_ =	shalt  }
0x46: {  	_ =	shalt  }
0x47: {  	_ =	shalt  }
0x48: {  	_ =	shalt  }
0x49: {  	_ =	shalt  }
0x4a: {  	_ =	shalt  }
0x4b: {  	_ =	shalt  }
0x4c: {  	_ =	shalt  }
0x4d: {  	_ =	shalt  }
0x4e: {  	_ =	shalt  }
0x4f: {  	_ =	shalt  }
0x50: {  	_ =	shalt  }
0x51: {  	_ =	shalt  }
0x52: {  	_ =	shalt  }
0x53: {  	_ =	shalt  }
0x54: {  	_ =	shalt  }
0x55: {  	_ =	shalt  }
0x56: {  	_ =	shalt  }
0x57: {  	_ =	shalt  }
0x58: {  	_ =	shalt  }
0x59: {  	_ =	shalt  }
0x5a: {  	_ =	shalt  }
0x5b: {  	_ =	shalt  }
0x5c: {  	_ =	shalt  }
0x5d: {  	_ =	shalt  }
0x5e: {  	_ =	shalt  }
0x5f: {  	_ =	shalt  }
0x60: {  	_ =	shalt  }
0x61: {  	_ =	shalt  }
0x62: {  	_ =	shalt  }
0x63: {  	_ =	shalt  }
0x64: {  	_ =	shalt  }
0x65: {  	_ =	shalt  }
0x66: {  	_ =	shalt  }
0x67: {  	_ =	shalt  }
0x68: {  	_ =	shalt  }
0x69: {  	_ =	shalt  }
0x6a: {  	_ =	shalt  }
0x6b: {  	_ =	shalt  }
0x6c: {  	_ =	shalt  }
0x6d: {  	_ =	shalt  }
0x6e: {  	_ =	shalt  }
0x6f: {  	_ =	shalt  }
0x70: {  	_ =	shalt  }
0x71: {  	_ =	shalt  }
0x72: {  	_ =	shalt  }
0x73: {  	_ =	shalt  }
0x74: {  	_ =	shalt  }
0x75: {  	_ =	shalt  }
0x76: {  	_ =	shalt  }
0x77: {  	_ =	shalt  }
0x78: {  	_ =	shalt  }
0x79: {  	_ =	shalt  }
0x7a: {  	_ =	shalt  }
0x7b: {  	_ =	shalt  }
0x7c: {  	_ =	shalt  }
0x7d: {  	_ =	shalt  }
0x7e: {  	_ =	shalt  }
0x7f: {  	_ =	shalt  }
0x80: {  	_ =	shalt  }
0x81: {  	_ =	shalt  }
0x82: {  	_ =	shalt  }
0x83: {  	_ =	shalt  }
0x84: {  	_ =	shalt  }
0x85: {  	_ =	shalt  }
0x86: {  	_ =	shalt  }
0x87: {  	_ =	shalt  }
.Lfunc_end0:
.L_simem_size_0:
called_computation_lowered:
.L_overlay_start_0:
0x88: {  	s2 =	sld [smem:$0x3FD9]  }
0x89: {  	s3 =	sld [smem:$0x3FFE];
	_ =	sdelay $0x1  }
0x8a: {  	s1 =	srdreg.scid  }
0x8b: {  	s0 =	sand.u32 $0x1, s1  }
0x8c: {  	s14 =	sshll.u32 s0, $0xA;
	s2 =	sadd.s32 s3, s2  }
0x8d: {  	s2 =	sadd.s32 s2, s14  }
0x8e: {  	[smem:$0x3FC6] =	sst s2  }
0x8f: {  	_ = 	snop  }
0x90: {  	s2 =	sld [smem:$0x3FD0];
	_ =	sdelay $0x2  }
0x91: {  	s15 =	simm.s32 $0xA;
	s4 =	simm.s32 $0x10  }
0x92: {  	[smem:s4], [sflag:s15] =	dma.local [hbm:s2], $0x1  }
0x93: {  	_ =	swait.eq [sflag:s15], $0x1  }
0x94: {  	[sflag:s15] =	ssyncset.done $0x0  }
0x95: {  	[sflag:s15] =	ssyncadd.s32 $0xFFFFFFFF  }
0x96: {  	s16 =	sld [smem:$0x10];
	(tm) =	ssettm $0x1  }
0x97: {  	s17 =	sld [smem:$0x3FFB];
	_ =	sdelay $0x3  }
0x98: {  	_ =	strace s17  }
0x99: {  	s3 =	sld [smem:$0x3FFC];
	_ =	sdelay $0x3  }
0x9a: {  	_ =	strace s3  }
0x9b: {  	s3 =	sld [smem:$0x3FFD];
	_ =	sdelay $0x3  }
0x9c: {  	_ =	strace s3  }
0x9d: {  	_ =	strace $0x8FFFFFFF  }
0x9e: {  	s18 =	sld [smem:$0x3FDB];
	_ =	sdelay $0x1  }
0x9f: {  	s19 =	simm.s32 $_scs_section_size  }
0xa0: {  	s5 =	simm.s32 $_size__tile_overlayer_lowered;
	s6 =	simm.s32 $_tile_overlayer_lowered  }
0xa1: {  	s22 =	simm.s32 $0x1BFF;
	s21 =	sshll.u32 s6, $0x1;
	s3 =	sadd.s32 s19, s18  }
0xa2: {  	s7 =	simm.s32 $0x0;
	s20 =	sshll.u32 s5, $0x1;
	s5 =	sadd.s32 s21, s3  }
0xa3: {  	[timem:s7], [sflag:s22] =	dma.local [hbm:s5], s20  }
0xa4: {  	_ =	swait.ge [sflag:s22], s20  }
0xa5: {  	s4 =	ssub.s32 $0x0, s20;
	[sflag:s22] =	ssyncset.done $0x0  }
0xa6: {  	[sflag:s22] =	ssyncadd.s32 s4;
	_ =	sdelay $0x1  }
0xa7: {  	s23 =	simm.s32 $0x1B8B  }
0xa8: {  	_ =	swait.ge [sflag:s23], $0x1  }
0xa9: {  	[sflag:s23] =	ssyncset.done $0x0  }
0xaa: {  	s25 =	simm.s32 $0x1B8E;
	s24 =	sld [smem:$0x3FFE];
	[sflag:s23] =	ssyncadd.s32 $0xFFFFFFFF  }
0xab: {  	s26 =	simm.s32 $execute0_lowered;
	[smem:$0x3FD2] =	sst s25  }
0xac: {  	s5 =	sshll.u32 s26, $0x1;
	_ =	strace $0x80000046;
	[dreg:$0x1] =	wrdreg $0xFFFFFFFF  }
0xad: {  	s28 =	simm.s32 $_size_execute0_lowered;
	s3 =	sadd.s32 s3, s5;
	[dreg:$0x0] =	wrdreg $0x0  }
0xae: {  	s5 =	sshll.u32 s28, $0x1;
	[dreg:$0x2] =	wrdreg s3  }
0xaf: {  	[dreg:$0x3] =	wrdreg s5  }
0xb0: {  	[dreg:$0x4] =	wrdreg $0xC0  }
0xb1: {  	_ =	task [dreg:s7], $0x5FFFF  }
0xb2: {  	[dreg:$0x1] =	wrdreg $0xFFFFFFFF  }
0xb3: {  	[dreg:$0x0] =	wrdreg $0x60  }
0xb4: {  	[dreg:$0x2] =	wrdreg s24  }
0xb5: {  	[dreg:$0x3] =	wrdreg s16  }
0xb6: {  	[dreg:$0x4] =	wrdreg $0x9  }
0xb7: {  	_ =	task.clear_ibuf [dreg:s7], $0x5FFFF;
	_ =	strace $0x90000046  }
0xb8: {  	s29 =	simm.s32 $0x9;
	_ =	strace $0x80000048  }
0xb9: {  	_ =	swait.ge [sflag:s29], $0x1  }
0xba: {  	[sflag:s29] =	ssyncadd.s32 $0xFFFFFFFF  }
0xbb: {  	_ =	strace $0x90000048  }
0xbc: {  	_ =	sfence  }
0xbd: {  	s30 =	sld [smem:$0x0];
	_ =	sdelay $0x2  }
0xbe: {  	s31 =	sshll.u32 s1, $0xD;
	s1 =	sshrl.u32 s1, $0x2  }
0xbf: {  	s3 =	sand.u32 $0x4000, s31;
	s1 =	sadd.s32 s1, s30  }
0xc0: {  	s0 =	sor.u32 s3, s0;
	s1 =	sshll.u32 s1, $0x11  }
0xc1: {  	s0 =	sor.u32 s1, s0  }
0xc2: {  	s0 =	sadd.s32 $0x8F2B, s0  }
0xc3: {  	[sflag:s0] =	ssyncadd.remote.s32 $0x1  }
0xc4: {  	_ =	sfence.sel $0xFFFF  }
0xc5: {  	[dreg:$0x0] =	wrdreg $0xFFFFFFFF;
	(pc) =	sbr.abs _section_cstart, $3  }
0xc6: {  	[dreg:$0x1] =	wrdreg $0xFFFFFFFF  }
0xc7: {  	_ =	task.clear_ibuf [dreg:s7], $0x2FFFF;
	_ =	strace $0x9FFFFFFF  }
0xc8: {  	(tm) =	ssettm $0x7FFFFFFF  }
0xc9: {  	_ =	shalt  }
tec
execute0_lowered:
.L_overlay_start_1:
0x0: {  	(tag) =	ssettag $0x1  }
0x1: {  	s1 =	srdreg.scid;
	s8 =	rddreg [dreg:$0x0]  }
0x2: {  	s0 =	stileid.u32;
	s3 =	rddreg [dreg:$0x1];
	s6 =	sand.u32 $0x1, s1  }
0x3: {  	s2 =	simm.s32 $0x0;
	s4 =	sshll.u32 s0, $0xA;
	s5 =	sshll.u32 s6, $0x9  }
0x4: {  	[smem:$0x7FF] =	sst s2;
	s9 =	sor.u32 s5, s4  }
0x5: {  	s1 =	rddreg [dreg:$0x2];
	_ =	strace $0x80000047;
	s4 =	sshrl.u32 s9, $0x3  }
0x6: {  	s10 =	ssub.s32 $0x2, s6;
	s4 =	sadd.s32 s3, s4;
	s3 =	simm.s32 $0x2  }
0x7: {  	[tilespmem:s2], [sflag:$0x2] =	stream.linear.gather [hbm4b:s4+s2], $0x200, $0x38;
	[tilespmem:$0x10200] =	vst v63  }
0x8: {  	s7 =	simm.s32 $0x1;
	s11 =	sshrl.u32 s10, $0x1;
	_ =	swait.ge [sflag:s3], $0x200  }
0x9: {  	s6 =	simm.s32 $0x200;
	s10 =	ssub.s32 s10, s11;
	[sflag:s3] =	ssyncset.done $0x0  }
0xa: {  	s5 =	sadd.s32 $0x40000, s8;
	s31 =	smax.u32 s10, $0x1;
	[sflag:s3] =	ssyncadd.s32 $0xFFFFFE00  }
0xb: {  	[tilespmem:s6], [sflag:$0x1] =	stream.indirect.gather [hbm4b:s5+s6], $0x80, s2, s6, $0xb8;
	[tilespmem:$0x10200] =	vst v63  }
0xc: {  	p0 =	sne.s32 s31, $0x1;
	_ =	swait.ge [sflag:s7], $0x10000  }
.Ltmp0:
0xd: {  	s9 =	sshll.u32 s9, $0x4;
	[sflag:s7] =	ssyncset.done $0x0;
	(pc) =	sbr.rel @!p0 .LBB2_2-.Ltmp0, $4  }
0xe: {  	s8 =	sadd.s32 s8, s9;
	[sflag:s7] =	ssyncadd.s32 $0xFFFF0000  }
0xf: {  	[hbm4b:s8+s2] =	stream.linear.scatter [tilespmem:s6], [sflag:$0x2], $0x10000, $0x38;
	[tilespmem:$0x10200] =	vst v63  }
0x10: {  	_ =	swait.ge [sflag:s3], $0x10000  }
0x11: {  	s9 =	sadd.s32 $0xFFFFFFFF, s31;
	[sflag:s3] =	ssyncset.done $0x0  }
.LBB2_1:
0x12: {  	p0 =	sne.s32 s9, $0x1;
	s9 =	sadd.s32 $0xFFFFFFFF, s9;
	[sflag:s3] =	ssyncadd.s32 $0xFFFF0000  }
0x13: {  	[tilespmem:s2], [sflag:$0x2] =	stream.linear.gather [hbm4b:s4+s2], $0x200, $0x38;
	[tilespmem:$0x10200] =	vst v63  }
0x14: {  	_ =	swait.ge [sflag:s3], $0x200  }
0x15: {  	[sflag:s3] =	ssyncset.done $0x0  }
0x16: {  	[sflag:s3] =	ssyncadd.s32 $0xFFFFFE00  }
0x17: {  	[tilespmem:s6], [sflag:$0x1] =	stream.indirect.gather [hbm4b:s5+s6], $0x80, s2, s6, $0xb8;
	[tilespmem:$0x10200] =	vst v63  }
0x18: {  	_ =	swait.ge [sflag:s7], $0x10000  }
.Ltmp1:
0x19: {  	[sflag:s7] =	ssyncset.done $0x0;
	(pc) =	sbr.rel @p0 .LBB2_1-.Ltmp1, $4  }
0x1a: {  	[sflag:s7] =	ssyncadd.s32 $0xFFFF0000  }
0x1b: {  	[hbm4b:s8+s2] =	stream.linear.scatter [tilespmem:s6], [sflag:$0x2], $0x10000, $0x38;
	[tilespmem:$0x10200] =	vst v63  }
0x1c: {  	_ =	swait.ge [sflag:s3], $0x10000  }
0x1d: {  	[sflag:s3] =	ssyncset.done $0x0  }
.LBB2_2:
0x1e: {  	[sflag:s3] =	ssyncadd.s32 $0xFFFF0000  }
0x1f: {  	_ =	sfence.sel $0x180000  }
0x20: {  	[bflag:$0x0] =	sbarrier.arrive $0xFFFF  }
0x21: {  	p0 =	sne.s32 s0, $0x0;
	_ =	strace $0x90000047  }
0x22: {  	s0 =	sadd.s32 @!p0 $0x100000, s1;
	[bflag:$0x2] =	sbarrier.arrive $0xFFFF  }
0x23: {  	[sflag:s0] =	ssyncadd.tile.s32 @!p0 $0x1;
	_ =	shalt  }
.Lfunc_end2:
_tile_overlayer_lowered:
.L_overlay_start_2:
0x24: {  	(tag) =	ssettag $0x2  }
0x25: {  	s0 =	rddreg [dreg:$0x0];
	s2 =	stileid.u32  }
0x26: {  	s1 =	rddreg [dreg:$0x1];
	p0 =	sne.s32 s2, $0x0  }
0x27: {  	s3 =	rddreg [dreg:$0x2];
	[bflag:$0x3] =	sbarrier.arrive $0xFFFF;
	s2 =	simm.s32 @!p0 $0x1C02  }
0x28: {  	[timem:s3], [sflag:s2] =	dma.local @!p0 [hbm:s0], s1  }
0x29: {  	s0 =	simm.s32 @!p0 $0x2  }
0x2a: {  	_ =	swait.ge @!p0 [sflag:s0], s1  }
0x2b: {  	s1 =	ssub.s32 @!p0 $0x0, s1;
	[sflag:s0] =	ssyncset.done @!p0 $0x0  }
0x2c: {  	[sflag:s0] =	ssyncadd.s32 @!p0 s1  }
0x2d: {  	[bflag:$0x3] =	sbarrier.arrive $0xFFFF  }
0x2e: {  	_ =	shalt  }

</sc_bundles>
